<compile_context>
chip_gen: v7x
topology: tpu7x:2x2x1
jax: 0.10.2.dev20260603
libtpu: 0.0.44.dev20260713+nightly
codegen_flags: <defaults>
</compile_context>

<pallas_src>
import functools

import jax
import jax.numpy as jnp
from jax import lax
from jax.experimental import pallas as pl
from jax.experimental.pallas import tpu as pltpu
from jax.experimental.pallas import tpu_sc as plsc

NROW = 10000
NPAD = 10240
NC = 2
NS = 16
K = 128
E_PAD = 323584
RPT = NPAD // NS
D1 = 256
D2 = 128
RB = 512
NRB = NPAD // RB

_mesh = plsc.VectorSubcoreMesh(
    core_axis_name="c", subcore_axis_name="s", num_cores=NC, num_subcores=NS
)



@functools.partial(
    pl.kernel,
    out_type=jax.ShapeDtypeStruct((NC, NPAD, 128), jnp.float32),
    mesh=_mesh,
    scratch_types=[
        pltpu.VMEM((K,), jnp.int32),
        pltpu.VMEM((K, 128), jnp.float32),
        pltpu.VMEM_SHARED((NPAD, 128), jnp.float32),
    ],
)
def _deg_kernel(dst_hbm, zeros_hbm, ones_hbm, out_hbm, idx_v, ones_v, acc_sh):
    c = lax.axis_index("c")
    s = lax.axis_index("s")
    t0 = s * RPT
    pltpu.sync_copy(zeros_hbm, acc_sh.at[pl.ds(t0, RPT)])
    pltpu.sync_copy(ones_hbm, ones_v)
    plsc.subcore_barrier()
    epw = E_PAD // (NC * NS)
    base = (c * NS + s) * epw

    def body(g, carry):
        off = base + g * K
        pltpu.sync_copy(dst_hbm.at[pl.ds(off, K)], idx_v)
        pltpu.sync_copy(ones_v, acc_sh.at[idx_v], add=True)
        return carry

    lax.fori_loop(0, epw // K, body, 0)
    plsc.subcore_barrier()
    pltpu.sync_copy(acc_sh.at[pl.ds(t0, RPT)], out_hbm.at[c, pl.ds(t0, RPT)])


@functools.partial(
    pl.kernel,
    out_type=jax.ShapeDtypeStruct((NC, NPAD, D1 // NC), jnp.float32),
    mesh=_mesh,
    scratch_types=[
        pltpu.VMEM((2, K), jnp.int32),
        pltpu.VMEM((K, D1 // NC), jnp.float32),
        pltpu.VMEM_SHARED((NPAD, D1 // NC), jnp.float32),
    ],
)
def _prop_l1(xws_hbm, edges_hbm, out_hbm, idx2, rows_v, acc_sh):
    c = lax.axis_index("c")
    s = lax.axis_index("s")
    t0 = s * RPT
    pltpu.sync_copy(
        xws_hbm.at[pl.ds(c * NPAD + t0, RPT)], acc_sh.at[pl.ds(t0, RPT)]
    )
    plsc.subcore_barrier()
    nch = E_PAD // K // NS
    base = s * nch

    def body(g, carry):
        pltpu.sync_copy(edges_hbm.at[c, base + g], idx2)
        pltpu.sync_copy(xws_hbm.at[idx2.at[0]], rows_v)
        pltpu.sync_copy(rows_v, acc_sh.at[idx2.at[1]], add=True)
        return carry

    lax.fori_loop(0, nch, body, 0)
    plsc.subcore_barrier()
    pltpu.sync_copy(acc_sh.at[pl.ds(t0, RPT)], out_hbm.at[c, pl.ds(t0, RPT)])


@functools.partial(
    pl.kernel,
    out_type=jax.ShapeDtypeStruct((NC, NPAD, D2), jnp.float32),
    mesh=_mesh,
    scratch_types=[
        pltpu.VMEM((2, K), jnp.int32),
        pltpu.VMEM((K, D2), jnp.float32),
        pltpu.VMEM_SHARED((NPAD, D2), jnp.float32),
    ],
)
def _prop_l2(xws_hbm, zeros_hbm, edges_hbm, out_hbm, idx2, rows_v, acc_sh):
    c = lax.axis_index("c")
    s = lax.axis_index("s")
    t0 = s * RPT
    pltpu.sync_copy(zeros_hbm, acc_sh.at[pl.ds(t0, RPT)])
    plsc.subcore_barrier()
    nch = E_PAD // K // (NC * NS)
    base = (c * NS + s) * nch

    def body(g, carry):
        pltpu.sync_copy(edges_hbm.at[base + g], idx2)
        pltpu.sync_copy(xws_hbm.at[idx2.at[0]], rows_v)
        pltpu.sync_copy(rows_v, acc_sh.at[idx2.at[1]], add=True)
        return carry

    lax.fori_loop(0, nch, body, 0)
    plsc.subcore_barrier()
    pltpu.sync_copy(acc_sh.at[pl.ds(t0, RPT)], out_hbm.at[c, pl.ds(t0, RPT)])



def _tc1_body(x_ref, w_ref, degp_ref, xws_ref, dinv_ref):
    deg = degp_ref[0, :, :1] + degp_ref[1, :, :1] + 1.0
    dinv = lax.rsqrt(deg)
    xw = jnp.dot(x_ref[...], w_ref[...], preferred_element_type=jnp.float32)
    xws_ref[0] = xw * dinv
    dinv_ref[...] = dinv


_tc1 = pl.pallas_call(
    _tc1_body,
    grid=(NRB, NC),
    in_specs=[
        pl.BlockSpec((RB, 128), lambda i, c: (i, 0)),
        pl.BlockSpec((128, D1 // NC), lambda i, c: (0, c)),
        pl.BlockSpec((NC, RB, 128), lambda i, c: (0, i, 0)),
    ],
    out_specs=[
        pl.BlockSpec((1, RB, D1 // NC), lambda i, c: (c, i, 0)),
        pl.BlockSpec((RB, 1), lambda i, c: (i, 0)),
    ],
    out_shape=[
        jax.ShapeDtypeStruct((NC, NPAD, D1 // NC), jnp.float32),
        jax.ShapeDtypeStruct((NPAD, 1), jnp.float32),
    ],
)


def _tc2_body(acc_ref, dinv_ref, b1_ref, w2_ref, xws_ref):
    acc = acc_ref[...]
    h = jnp.concatenate([acc[0], acc[1]], axis=1)
    h = jnp.maximum(h * dinv_ref[...] + b1_ref[...], 0.0)
    xw2 = jnp.dot(h, w2_ref[...], preferred_element_type=jnp.float32)
    xws_ref[...] = xw2 * dinv_ref[...]


_tc2 = pl.pallas_call(
    _tc2_body,
    grid=(NRB,),
    in_specs=[
        pl.BlockSpec((NC, RB, D1 // NC), lambda i: (0, i, 0)),
        pl.BlockSpec((RB, 1), lambda i: (i, 0)),
        pl.BlockSpec((1, D1), lambda i: (0, 0)),
        pl.BlockSpec((D1, D2), lambda i: (0, 0)),
    ],
    out_specs=[pl.BlockSpec((RB, D2), lambda i: (i, 0))],
    out_shape=[jax.ShapeDtypeStruct((NPAD, D2), jnp.float32)],
)


def _tc3_body(acc_ref, xws2_ref, dinv_ref, b2_ref, out_ref):
    acc = acc_ref[...]
    z = acc[0] + acc[1] + xws2_ref[...]
    z = z * dinv_ref[...] + b2_ref[...]
    m = jnp.max(z, axis=1, keepdims=True)
    zs = z - m
    lse = jnp.log(jnp.sum(jnp.exp(zs), axis=1, keepdims=True))
    out_ref[...] = zs - lse


_tc3 = pl.pallas_call(
    _tc3_body,
    grid=(NRB,),
    in_specs=[
        pl.BlockSpec((NC, RB, D2), lambda i: (0, i, 0)),
        pl.BlockSpec((RB, D2), lambda i: (i, 0)),
        pl.BlockSpec((RB, 1), lambda i: (i, 0)),
        pl.BlockSpec((1, D2), lambda i: (0, 0)),
    ],
    out_specs=pl.BlockSpec((RB, D2), lambda i: (i, 0)),
    out_shape=jax.ShapeDtypeStruct((NPAD, D2), jnp.float32),
)



@jax.jit
def kernel(feature_data, edge_info, W1, b1, W2, b2):
    f32 = jnp.float32
    x = feature_data.astype(f32)
    src = edge_info[0].astype(jnp.int32)
    dst = edge_info[1].astype(jnp.int32)
    e = src.shape[0]
    pad = E_PAD - e
    src_p = jnp.concatenate([src, jnp.full((pad,), NROW, jnp.int32)])
    dst_p = jnp.concatenate([dst, jnp.full((pad,), NROW, jnp.int32)])
    srcg = src_p.reshape(E_PAD // K, K)
    dstg = dst_p.reshape(E_PAD // K, K)
    edges1 = jnp.stack(
        [jnp.stack([srcg, dstg], axis=1),
         jnp.stack([srcg + NPAD, dstg], axis=1)])
    edges2 = jnp.stack([srcg, dstg], axis=1)
    x_pad = jnp.pad(x, ((0, NPAD - NROW), (0, 0)))

    zeros_row = jnp.zeros((RPT, D2), f32)
    ones_chunk = jnp.ones((K, 128), f32)
    degp = _deg_kernel(dst_p, zeros_row, ones_chunk)

    xws1, dinv = _tc1(x_pad, W1, degp)
    acc1 = _prop_l1(xws1.reshape(NC * NPAD, D1 // NC), edges1)
    (xws2,) = _tc2(acc1, dinv, b1.reshape(1, D1), W2)
    acc2 = _prop_l2(xws2, zeros_row, edges2)
    out = _tc3(acc2, xws2, dinv, b2.reshape(1, D2))
    return out[:NROW]

# --- scband reference (transcript-rebuilt; emitter-appended) ---
"""Pipeline reference for scband-custom-gnn-9079560864629 (READ-ONLY COPY).

The authoritative reference and input builder live on the scoring server;
editing this copy changes nothing except your own understanding.
"""

import jax, jax.numpy as jnp
import numpy as np

N_NODES = 10000


def gcn_conv(x, edge_index, W, b):
    n = x.shape[0]
    src = edge_index[0]
    dst = edge_index[1]
    # add self loops (PyG GCNConv default add_self_loops=True)
    loop = jnp.arange(n, dtype=src.dtype)
    src = jnp.concatenate([src, loop])
    dst = jnp.concatenate([dst, loop])
    # linear transform
    xw = x @ W
    # symmetric normalization D^{-1/2} A_hat D^{-1/2}
    ones = jnp.ones(src.shape[0], dtype=x.dtype)
    deg = jax.ops.segment_sum(ones, dst, num_segments=n)
    dinv = jnp.where(deg > 0, deg ** -0.5, 0.0)
    norm = dinv[src] * dinv[dst]
    msg = xw[src] * norm[:, None]
    out = jax.ops.segment_sum(msg, dst, num_segments=n)
    return out + b


def setup_inputs(seed: int = 0) -> dict:
    key = jax.random.key(seed)
    k1, k2, k3, k4, k5, k6 = jax.random.split(key, 6)
    feature_data = jax.random.normal(k1, (N_NODES, 128), dtype=jnp.float32)
    edge_info = jax.random.randint(k2, (2, 320000), 0, N_NODES, dtype=jnp.int64)
    # GCNConv layer 1: in=128, out=256 (glorot init)
    W1 = jax.random.normal(k3, (128, 256), dtype=jnp.float32) * (2.0 / (128 + 256)) ** 0.5
    b1 = jnp.zeros((256,), dtype=jnp.float32)
    # GCNConv layer 2: in=256, out=128
    W2 = jax.random.normal(k4, (256, 128), dtype=jnp.float32) * (2.0 / (256 + 128)) ** 0.5
    b2 = jnp.zeros((128,), dtype=jnp.float32)
    return {"feature_data": feature_data, "edge_info": edge_info, "W1": W1, "b1": b1, "W2": W2, "b2": b2}


def reference(feature_data, edge_info, W1, b1, W2, b2):
    x = gcn_conv(feature_data, edge_info, W1, b1)
    x = jax.nn.relu(x)
    # F.dropout with training=self.training; reference assumes eval mode -> identity
    x = gcn_conv(x, edge_info, W2, b2)
    return jax.nn.log_softmax(x, axis=1)

if __name__ == "__main__":
    import jax
    _d = setup_inputs()
    print(jax.jit(kernel)(*tuple(_d.values())))

</pallas_src>

<mosaic_0001>
#map = affine_map<(d0, d1) -> (0, 0)>
#map1 = affine_map<(d0, d1) -> (0, 0, 0)>
module attributes {stable_mosaic.version = 14 : i64} {
  func.func @_prop_l2(%arg0: i32, %arg1: i32, %arg2: memref<10240x128xf32, #tpu.memory_space<hbm>>, %arg3: memref<640x128xf32, #tpu.memory_space<hbm>>, %arg4: memref<2528x2x128xi32, #tpu.memory_space<hbm>>, %arg5: memref<2x10240x128xf32, #tpu.memory_space<hbm>>, %arg6: memref<2x128xi32, #tpu.memory_space<vmem>>, %arg7: memref<128x128xf32, #tpu.memory_space<vmem>>, %arg8: memref<10240x128xf32, #tpu.memory_space<vmem_shared>>) attributes {dimension_semantics = [#tpu.dimension_semantics<core_parallel>, #tpu.dimension_semantics<subcore_parallel>], iteration_bounds = array<i64: 2, 16>, scalar_prefetch = 0 : i64, scratch_operands = 3 : i64, tpu.core_type = #tpu.core_type<sc_vector_subcore>, window_params = [{transform_indices = #map}, {transform_indices = #map}, {transform_indices = #map1}, {transform_indices = #map1}]} {
    %mul3A = arith.constant 640 : i32
    %mul3A_0 = arith.muli %arg1, %mul3A : i32
    "tpu.region"() ({
      %run_scoped3A = tpu.sem_alloc : memref<!tpu.dma_semaphore, #tpu.memory_space<semaphore_mem>>
      %dma_start3A = arith.constant 0 : i32
      %dma_start3A_11 = tpu.memref_slice %arg8[%mul3A_0, %dma_start3A] : memref<10240x128xf32, #tpu.memory_space<vmem_shared>> -> memref<640x128xf32, #tpu.memory_space<vmem_shared>>
      tpu.enqueue_dma source(%arg3 : memref<640x128xf32, #tpu.memory_space<hbm>>) target(%dma_start3A_11 : memref<640x128xf32, #tpu.memory_space<vmem_shared>>) target_semaphore(%run_scoped3A : memref<!tpu.dma_semaphore, #tpu.memory_space<semaphore_mem>>)
      %dma_wait3A = arith.constant 0 : i32
      %dma_wait3A_12 = tpu.memref_slice %arg8[%mul3A_0, %dma_wait3A] : memref<10240x128xf32, #tpu.memory_space<vmem_shared>> -> memref<640x128xf32, #tpu.memory_space<vmem_shared>>
      tpu.wait_dma2 semaphore(%run_scoped3A : memref<!tpu.dma_semaphore, #tpu.memory_space<semaphore_mem>>) src(%arg3 : memref<640x128xf32, #tpu.memory_space<hbm>>) dst(%dma_wait3A_12 : memref<640x128xf32, #tpu.memory_space<vmem_shared>>)
      tpu.yield
    }) : () -> ()
    %barrier3A = arith.constant 0 : index
    tpu.barrier barrier_id(%barrier3A)
    %mul3A_1 = arith.constant 16 : i32
    %mul3A_2 = arith.muli %arg0, %mul3A_1 : i32
    %add3A = arith.addi %mul3A_2, %arg1 : i32
    %mul3A_3 = arith.constant 79 : i32
    %mul3A_4 = arith.muli %add3A, %mul3A_3 : i32
    %scan3A = arith.constant 0 : i32
    %scan3A_5 = arith.constant 0 : i32
    %scan3A_6 = arith.constant 79 : i32
    %scan3A_7 = arith.addi %scan3A_5, %scan3A_6 : i32
    %scan3A_8 = arith.constant 1 : i32
    scf.for %scan3A_11 = %scan3A_5 to %scan3A_7 step %scan3A_8  : i32 {
      %add3A_12 = arith.addi %mul3A_4, %scan3A_11 : i32
      "tpu.region"() ({
        %run_scoped3A_14 = tpu.sem_alloc : memref<!tpu.dma_semaphore, #tpu.memory_space<semaphore_mem>>
        %dma_start3A = arith.constant 0 : i32
        %dma_start3A_15 = arith.constant 0 : i32
        %dma_start3A_16 = tpu.memref_slice %arg4[%add3A_12, %dma_start3A, %dma_start3A_15] : memref<2528x2x128xi32, #tpu.memory_space<hbm>> -> memref<1x2x128xi32, #tpu.memory_space<hbm>>
        %dma_start3A_17 = tpu.memref_squeeze %dma_start3A_16 : memref<1x2x128xi32, #tpu.memory_space<hbm>> -> memref<2x128xi32, #tpu.memory_space<hbm>>
        %dma_start3A_18 = arith.constant 0 : i32
        %dma_start3A_19 = arith.constant 0 : i32
        %dma_start3A_20 = tpu.memref_slice %arg4[%add3A_12, %dma_start3A_18, %dma_start3A_19] : memref<2528x2x128xi32, #tpu.memory_space<hbm>> -> memref<1x2x128xi32, #tpu.memory_space<hbm>>
        %dma_start3A_21 = tpu.memref_squeeze %dma_start3A_20 : memref<1x2x128xi32, #tpu.memory_space<hbm>> -> memref<2x128xi32, #tpu.memory_space<hbm>>
        tpu.enqueue_dma source(%dma_start3A_21 : memref<2x128xi32, #tpu.memory_space<hbm>>) target(%arg6 : memref<2x128xi32, #tpu.memory_space<vmem>>) target_semaphore(%run_scoped3A_14 : memref<!tpu.dma_semaphore, #tpu.memory_space<semaphore_mem>>)
        %dma_wait3A = arith.constant 0 : i32
        %dma_wait3A_22 = arith.constant 0 : i32
        %dma_wait3A_23 = tpu.memref_slice %arg4[%add3A_12, %dma_wait3A, %dma_wait3A_22] : memref<2528x2x128xi32, #tpu.memory_space<hbm>> -> memref<1x2x128xi32, #tpu.memory_space<hbm>>
        %dma_wait3A_24 = tpu.memref_squeeze %dma_wait3A_23 : memref<1x2x128xi32, #tpu.memory_space<hbm>> -> memref<2x128xi32, #tpu.memory_space<hbm>>
        %dma_wait3A_25 = arith.constant 0 : i32
        %dma_wait3A_26 = arith.constant 0 : i32
        %dma_wait3A_27 = tpu.memref_slice %arg4[%add3A_12, %dma_wait3A_25, %dma_wait3A_26] : memref<2528x2x128xi32, #tpu.memory_space<hbm>> -> memref<1x2x128xi32, #tpu.memory_space<hbm>>
        %dma_wait3A_28 = tpu.memref_squeeze %dma_wait3A_27 : memref<1x2x128xi32, #tpu.memory_space<hbm>> -> memref<2x128xi32, #tpu.memory_space<hbm>>
        tpu.wait_dma2 semaphore(%run_scoped3A_14 : memref<!tpu.dma_semaphore, #tpu.memory_space<semaphore_mem>>) src(%dma_wait3A_28 : memref<2x128xi32, #tpu.memory_space<hbm>>) dst(%arg6 : memref<2x128xi32, #tpu.memory_space<vmem>>)
        tpu.yield
      }) : () -> ()
      %run_scoped3A = arith.constant 0 : i32
      "tpu.region"() ({
        %run_scoped3A_14 = tpu.sem_alloc : memref<!tpu.dma_semaphore, #tpu.memory_space<semaphore_mem>>
        %dma_start3A = arith.constant 0 : i32
        %dma_start3A_15 = tpu.memref_slice %arg6[%run_scoped3A, %dma_start3A] : memref<2x128xi32, #tpu.memory_space<vmem>> -> memref<1x128xi32, #tpu.memory_space<vmem>>
        %dma_start3A_16 = tpu.memref_squeeze %dma_start3A_15 : memref<1x128xi32, #tpu.memory_space<vmem>> -> memref<128xi32, #tpu.memory_space<vmem>>
        %dma_start3A_17 = arith.constant 0 : i32
        %dma_start3A_18 = arith.constant 0 : i32
        %dma_start3A_19 = tpu.memref_slice %arg2[%dma_start3A_17, %dma_start3A_18] : memref<10240x128xf32, #tpu.memory_space<hbm>> -> memref<10240x128xf32, #tpu.memory_space<hbm>>
        tpu.enqueue_indirect_dma source(%dma_start3A_19 : memref<10240x128xf32, #tpu.memory_space<hbm>>) target(%arg7 : memref<128x128xf32, #tpu.memory_space<vmem>>) offsets(%dma_start3A_16 : memref<128xi32, #tpu.memory_space<vmem>>) semaphore(%run_scoped3A_14 : memref<!tpu.dma_semaphore, #tpu.memory_space<semaphore_mem>>)
        %dma_wait3A = arith.constant 0 : i32
        %dma_wait3A_20 = tpu.memref_slice %arg6[%run_scoped3A, %dma_wait3A] : memref<2x128xi32, #tpu.memory_space<vmem>> -> memref<1x128xi32, #tpu.memory_space<vmem>>
        %dma_wait3A_21 = tpu.memref_squeeze %dma_wait3A_20 : memref<1x128xi32, #tpu.memory_space<vmem>> -> memref<128xi32, #tpu.memory_space<vmem>>
        %dma_wait3A_22 = arith.constant 0 : i32
        %dma_wait3A_23 = arith.constant 0 : i32
        %dma_wait3A_24 = tpu.memref_slice %arg2[%dma_wait3A_22, %dma_wait3A_23] : memref<10240x128xf32, #tpu.memory_space<hbm>> -> memref<10240x128xf32, #tpu.memory_space<hbm>>
        tpu.wait_indirect_dma semaphore(%run_scoped3A_14 : memref<!tpu.dma_semaphore, #tpu.memory_space<semaphore_mem>>) src(%dma_wait3A_24 : memref<10240x128xf32, #tpu.memory_space<hbm>>) dst(%arg7 : memref<128x128xf32, #tpu.memory_space<vmem>>)
        tpu.yield
      }) : () -> ()
      %run_scoped3A_13 = arith.constant 1 : i32
      "tpu.region"() ({
        %run_scoped3A_14 = tpu.sem_alloc : memref<!tpu.dma_semaphore, #tpu.memory_space<semaphore_mem>>
        %dma_start3A = arith.constant 0 : i32
        %dma_start3A_15 = tpu.memref_slice %arg6[%run_scoped3A_13, %dma_start3A] : memref<2x128xi32, #tpu.memory_space<vmem>> -> memref<1x128xi32, #tpu.memory_space<vmem>>
        %dma_start3A_16 = tpu.memref_squeeze %dma_start3A_15 : memref<1x128xi32, #tpu.memory_space<vmem>> -> memref<128xi32, #tpu.memory_space<vmem>>
        %dma_start3A_17 = arith.constant 0 : i32
        %dma_start3A_18 = arith.constant 0 : i32
        %dma_start3A_19 = tpu.memref_slice %arg8[%dma_start3A_17, %dma_start3A_18] : memref<10240x128xf32, #tpu.memory_space<vmem_shared>> -> memref<10240x128xf32, #tpu.memory_space<vmem_shared>>
        tpu.enqueue_indirect_dma source(%arg7 : memref<128x128xf32, #tpu.memory_space<vmem>>) target(%dma_start3A_19 : memref<10240x128xf32, #tpu.memory_space<vmem_shared>>) offsets(%dma_start3A_16 : memref<128xi32, #tpu.memory_space<vmem>>) semaphore(%run_scoped3A_14 : memref<!tpu.dma_semaphore, #tpu.memory_space<semaphore_mem>>) {add = true}
        %dma_wait3A = arith.constant 0 : i32
        %dma_wait3A_20 = tpu.memref_slice %arg6[%run_scoped3A_13, %dma_wait3A] : memref<2x128xi32, #tpu.memory_space<vmem>> -> memref<1x128xi32, #tpu.memory_space<vmem>>
        %dma_wait3A_21 = tpu.memref_squeeze %dma_wait3A_20 : memref<1x128xi32, #tpu.memory_space<vmem>> -> memref<128xi32, #tpu.memory_space<vmem>>
        %dma_wait3A_22 = arith.constant 0 : i32
        %dma_wait3A_23 = arith.constant 0 : i32
        %dma_wait3A_24 = tpu.memref_slice %arg8[%dma_wait3A_22, %dma_wait3A_23] : memref<10240x128xf32, #tpu.memory_space<vmem_shared>> -> memref<10240x128xf32, #tpu.memory_space<vmem_shared>>
        tpu.wait_indirect_dma semaphore(%run_scoped3A_14 : memref<!tpu.dma_semaphore, #tpu.memory_space<semaphore_mem>>) src(%arg7 : memref<128x128xf32, #tpu.memory_space<vmem>>) dst(%dma_wait3A_24 : memref<10240x128xf32, #tpu.memory_space<vmem_shared>>)
        tpu.yield
      }) : () -> ()
    }
    %scan3A_9 = arith.constant 79 : i32
    %barrier3A_10 = arith.constant 0 : index
    tpu.barrier barrier_id(%barrier3A_10)
    "tpu.region"() ({
      %run_scoped3A = tpu.sem_alloc : memref<!tpu.dma_semaphore, #tpu.memory_space<semaphore_mem>>
      %dma_start3A = arith.constant 0 : i32
      %dma_start3A_11 = tpu.memref_slice %arg5[%arg0, %mul3A_0, %dma_start3A] : memref<2x10240x128xf32, #tpu.memory_space<hbm>> -> memref<1x640x128xf32, #tpu.memory_space<hbm>>
      %dma_start3A_12 = tpu.memref_squeeze %dma_start3A_11 : memref<1x640x128xf32, #tpu.memory_space<hbm>> -> memref<640x128xf32, #tpu.memory_space<hbm>>
      %dma_start3A_13 = arith.constant 0 : i32
      %dma_start3A_14 = tpu.memref_slice %arg8[%mul3A_0, %dma_start3A_13] : memref<10240x128xf32, #tpu.memory_space<vmem_shared>> -> memref<640x128xf32, #tpu.memory_space<vmem_shared>>
      tpu.enqueue_dma source(%dma_start3A_14 : memref<640x128xf32, #tpu.memory_space<vmem_shared>>) target(%dma_start3A_12 : memref<640x128xf32, #tpu.memory_space<hbm>>) target_semaphore(%run_scoped3A : memref<!tpu.dma_semaphore, #tpu.memory_space<semaphore_mem>>)
      %dma_wait3A = arith.constant 0 : i32
      %dma_wait3A_15 = tpu.memref_slice %arg5[%arg0, %mul3A_0, %dma_wait3A] : memref<2x10240x128xf32, #tpu.memory_space<hbm>> -> memref<1x640x128xf32, #tpu.memory_space<hbm>>
      %dma_wait3A_16 = tpu.memref_squeeze %dma_wait3A_15 : memref<1x640x128xf32, #tpu.memory_space<hbm>> -> memref<640x128xf32, #tpu.memory_space<hbm>>
      %dma_wait3A_17 = arith.constant 0 : i32
      %dma_wait3A_18 = tpu.memref_slice %arg8[%mul3A_0, %dma_wait3A_17] : memref<10240x128xf32, #tpu.memory_space<vmem_shared>> -> memref<640x128xf32, #tpu.memory_space<vmem_shared>>
      tpu.wait_dma2 semaphore(%run_scoped3A : memref<!tpu.dma_semaphore, #tpu.memory_space<semaphore_mem>>) src(%dma_wait3A_18 : memref<640x128xf32, #tpu.memory_space<vmem_shared>>) dst(%dma_wait3A_16 : memref<640x128xf32, #tpu.memory_space<hbm>>)
      tpu.yield
    }) : () -> ()
    return
  }
}

#map = affine_map<(d0, d1) -> (0)>
#map1 = affine_map<(d0, d1) -> (0, 0)>
#map2 = affine_map<(d0, d1) -> (0, 0, 0)>
module attributes {stable_mosaic.version = 14 : i64} {
  func.func @_deg_kernel(%arg0: i32, %arg1: i32, %arg2: memref<323584xi32, #tpu.memory_space<hbm>>, %arg3: memref<640x128xf32, #tpu.memory_space<hbm>>, %arg4: memref<128x128xf32, #tpu.memory_space<hbm>>, %arg5: memref<2x10240x128xf32, #tpu.memory_space<hbm>>, %arg6: memref<128xi32, #tpu.memory_space<vmem>>, %arg7: memref<128x128xf32, #tpu.memory_space<vmem>>, %arg8: memref<10240x128xf32, #tpu.memory_space<vmem_shared>>) attributes {dimension_semantics = [#tpu.dimension_semantics<core_parallel>, #tpu.dimension_semantics<subcore_parallel>], iteration_bounds = array<i64: 2, 16>, scalar_prefetch = 0 : i64, scratch_operands = 3 : i64, tpu.core_type = #tpu.core_type<sc_vector_subcore>, window_params = [{transform_indices = #map}, {transform_indices = #map1}, {transform_indices = #map1}, {transform_indices = #map2}]} {
    %mul3A = arith.constant 640 : i32
    %mul3A_0 = arith.muli %arg1, %mul3A : i32
    "tpu.region"() ({
      %run_scoped3A = tpu.sem_alloc : memref<!tpu.dma_semaphore, #tpu.memory_space<semaphore_mem>>
      %dma_start3A = arith.constant 0 : i32
      %dma_start3A_11 = tpu.memref_slice %arg8[%mul3A_0, %dma_start3A] : memref<10240x128xf32, #tpu.memory_space<vmem_shared>> -> memref<640x128xf32, #tpu.memory_space<vmem_shared>>
      tpu.enqueue_dma source(%arg3 : memref<640x128xf32, #tpu.memory_space<hbm>>) target(%dma_start3A_11 : memref<640x128xf32, #tpu.memory_space<vmem_shared>>) target_semaphore(%run_scoped3A : memref<!tpu.dma_semaphore, #tpu.memory_space<semaphore_mem>>)
      %dma_wait3A = arith.constant 0 : i32
      %dma_wait3A_12 = tpu.memref_slice %arg8[%mul3A_0, %dma_wait3A] : memref<10240x128xf32, #tpu.memory_space<vmem_shared>> -> memref<640x128xf32, #tpu.memory_space<vmem_shared>>
      tpu.wait_dma2 semaphore(%run_scoped3A : memref<!tpu.dma_semaphore, #tpu.memory_space<semaphore_mem>>) src(%arg3 : memref<640x128xf32, #tpu.memory_space<hbm>>) dst(%dma_wait3A_12 : memref<640x128xf32, #tpu.memory_space<vmem_shared>>)
      tpu.yield
    }) : () -> ()
    "tpu.region"() ({
      %run_scoped3A = tpu.sem_alloc : memref<!tpu.dma_semaphore, #tpu.memory_space<semaphore_mem>>
      tpu.enqueue_dma source(%arg4 : memref<128x128xf32, #tpu.memory_space<hbm>>) target(%arg7 : memref<128x128xf32, #tpu.memory_space<vmem>>) target_semaphore(%run_scoped3A : memref<!tpu.dma_semaphore, #tpu.memory_space<semaphore_mem>>)
      tpu.wait_dma2 semaphore(%run_scoped3A : memref<!tpu.dma_semaphore, #tpu.memory_space<semaphore_mem>>) src(%arg4 : memref<128x128xf32, #tpu.memory_space<hbm>>) dst(%arg7 : memref<128x128xf32, #tpu.memory_space<vmem>>)
      tpu.yield
    }) : () -> ()
    %barrier3A = arith.constant 0 : index
    tpu.barrier barrier_id(%barrier3A)
    %mul3A_1 = arith.constant 16 : i32
    %mul3A_2 = arith.muli %arg0, %mul3A_1 : i32
    %add3A = arith.addi %mul3A_2, %arg1 : i32
    %mul3A_3 = arith.constant 10112 : i32
    %mul3A_4 = arith.muli %add3A, %mul3A_3 : i32
    %scan3A = arith.constant 0 : i32
    %scan3A_5 = arith.constant 0 : i32
    %scan3A_6 = arith.constant 79 : i32
    %scan3A_7 = arith.addi %scan3A_5, %scan3A_6 : i32
    %scan3A_8 = arith.constant 1 : i32
    scf.for %scan3A_11 = %scan3A_5 to %scan3A_7 step %scan3A_8  : i32 {
      %mul3A_12 = arith.constant 128 : i32
      %mul3A_13 = arith.muli %scan3A_11, %mul3A_12 : i32
      %add3A_14 = arith.addi %mul3A_4, %mul3A_13 : i32
      "tpu.region"() ({
        %run_scoped3A = tpu.sem_alloc : memref<!tpu.dma_semaphore, #tpu.memory_space<semaphore_mem>>
        %dma_start3A = tpu.memref_slice %arg2[%add3A_14] : memref<323584xi32, #tpu.memory_space<hbm>> -> memref<128xi32, #tpu.memory_space<hbm>>
        %dma_start3A_15 = tpu.memref_slice %arg2[%add3A_14] : memref<323584xi32, #tpu.memory_space<hbm>> -> memref<128xi32, #tpu.memory_space<hbm>>
        tpu.enqueue_dma source(%dma_start3A_15 : memref<128xi32, #tpu.memory_space<hbm>>) target(%arg6 : memref<128xi32, #tpu.memory_space<vmem>>) target_semaphore(%run_scoped3A : memref<!tpu.dma_semaphore, #tpu.memory_space<semaphore_mem>>)
        %dma_wait3A = tpu.memref_slice %arg2[%add3A_14] : memref<323584xi32, #tpu.memory_space<hbm>> -> memref<128xi32, #tpu.memory_space<hbm>>
        %dma_wait3A_16 = tpu.memref_slice %arg2[%add3A_14] : memref<323584xi32, #tpu.memory_space<hbm>> -> memref<128xi32, #tpu.memory_space<hbm>>
        tpu.wait_dma2 semaphore(%run_scoped3A : memref<!tpu.dma_semaphore, #tpu.memory_space<semaphore_mem>>) src(%dma_wait3A_16 : memref<128xi32, #tpu.memory_space<hbm>>) dst(%arg6 : memref<128xi32, #tpu.memory_space<vmem>>)
        tpu.yield
      }) : () -> ()
      "tpu.region"() ({
        %run_scoped3A = tpu.sem_alloc : memref<!tpu.dma_semaphore, #tpu.memory_space<semaphore_mem>>
        %dma_start3A = arith.constant 0 : i32
        %dma_start3A_15 = arith.constant 0 : i32
        %dma_start3A_16 = tpu.memref_slice %arg8[%dma_start3A, %dma_start3A_15] : memref<10240x128xf32, #tpu.memory_space<vmem_shared>> -> memref<10240x128xf32, #tpu.memory_space<vmem_shared>>
        tpu.enqueue_indirect_dma source(%arg7 : memref<128x128xf32, #tpu.memory_space<vmem>>) target(%dma_start3A_16 : memref<10240x128xf32, #tpu.memory_space<vmem_shared>>) offsets(%arg6 : memref<128xi32, #tpu.memory_space<vmem>>) semaphore(%run_scoped3A : memref<!tpu.dma_semaphore, #tpu.memory_space<semaphore_mem>>) {add = true}
        %dma_wait3A = arith.constant 0 : i32
        %dma_wait3A_17 = arith.constant 0 : i32
        %dma_wait3A_18 = tpu.memref_slice %arg8[%dma_wait3A, %dma_wait3A_17] : memref<10240x128xf32, #tpu.memory_space<vmem_shared>> -> memref<10240x128xf32, #tpu.memory_space<vmem_shared>>
        tpu.wait_indirect_dma semaphore(%run_scoped3A : memref<!tpu.dma_semaphore, #tpu.memory_space<semaphore_mem>>) src(%arg7 : memref<128x128xf32, #tpu.memory_space<vmem>>) dst(%dma_wait3A_18 : memref<10240x128xf32, #tpu.memory_space<vmem_shared>>)
        tpu.yield
      }) : () -> ()
    }
    %scan3A_9 = arith.constant 79 : i32
    %barrier3A_10 = arith.constant 0 : index
    tpu.barrier barrier_id(%barrier3A_10)
    "tpu.region"() ({
      %run_scoped3A = tpu.sem_alloc : memref<!tpu.dma_semaphore, #tpu.memory_space<semaphore_mem>>
      %dma_start3A = arith.constant 0 : i32
      %dma_start3A_11 = tpu.memref_slice %arg5[%arg0, %mul3A_0, %dma_start3A] : memref<2x10240x128xf32, #tpu.memory_space<hbm>> -> memref<1x640x128xf32, #tpu.memory_space<hbm>>
      %dma_start3A_12 = tpu.memref_squeeze %dma_start3A_11 : memref<1x640x128xf32, #tpu.memory_space<hbm>> -> memref<640x128xf32, #tpu.memory_space<hbm>>
      %dma_start3A_13 = arith.constant 0 : i32
      %dma_start3A_14 = tpu.memref_slice %arg8[%mul3A_0, %dma_start3A_13] : memref<10240x128xf32, #tpu.memory_space<vmem_shared>> -> memref<640x128xf32, #tpu.memory_space<vmem_shared>>
      tpu.enqueue_dma source(%dma_start3A_14 : memref<640x128xf32, #tpu.memory_space<vmem_shared>>) target(%dma_start3A_12 : memref<640x128xf32, #tpu.memory_space<hbm>>) target_semaphore(%run_scoped3A : memref<!tpu.dma_semaphore, #tpu.memory_space<semaphore_mem>>)
      %dma_wait3A = arith.constant 0 : i32
      %dma_wait3A_15 = tpu.memref_slice %arg5[%arg0, %mul3A_0, %dma_wait3A] : memref<2x10240x128xf32, #tpu.memory_space<hbm>> -> memref<1x640x128xf32, #tpu.memory_space<hbm>>
      %dma_wait3A_16 = tpu.memref_squeeze %dma_wait3A_15 : memref<1x640x128xf32, #tpu.memory_space<hbm>> -> memref<640x128xf32, #tpu.memory_space<hbm>>
      %dma_wait3A_17 = arith.constant 0 : i32
      %dma_wait3A_18 = tpu.memref_slice %arg8[%mul3A_0, %dma_wait3A_17] : memref<10240x128xf32, #tpu.memory_space<vmem_shared>> -> memref<640x128xf32, #tpu.memory_space<vmem_shared>>
      tpu.wait_dma2 semaphore(%run_scoped3A : memref<!tpu.dma_semaphore, #tpu.memory_space<semaphore_mem>>) src(%dma_wait3A_18 : memref<640x128xf32, #tpu.memory_space<vmem_shared>>) dst(%dma_wait3A_16 : memref<640x128xf32, #tpu.memory_space<hbm>>)
      tpu.yield
    }) : () -> ()
    return
  }
}

#map = affine_map<(d0, d1) -> (0, 0)>
#map1 = affine_map<(d0, d1) -> (0, 0, 0, 0)>
#map2 = affine_map<(d0, d1) -> (0, 0, 0)>
module attributes {stable_mosaic.version = 14 : i64} {
  func.func @_prop_l1(%arg0: i32, %arg1: i32, %arg2: memref<20480x128xf32, #tpu.memory_space<hbm>>, %arg3: memref<2x2528x2x128xi32, #tpu.memory_space<hbm>>, %arg4: memref<2x10240x128xf32, #tpu.memory_space<hbm>>, %arg5: memref<2x128xi32, #tpu.memory_space<vmem>>, %arg6: memref<128x128xf32, #tpu.memory_space<vmem>>, %arg7: memref<10240x128xf32, #tpu.memory_space<vmem_shared>>) attributes {dimension_semantics = [#tpu.dimension_semantics<core_parallel>, #tpu.dimension_semantics<subcore_parallel>], iteration_bounds = array<i64: 2, 16>, scalar_prefetch = 0 : i64, scratch_operands = 3 : i64, tpu.core_type = #tpu.core_type<sc_vector_subcore>, window_params = [{transform_indices = #map}, {transform_indices = #map1}, {transform_indices = #map2}]} {
    %mul3A = arith.constant 640 : i32
    %mul3A_0 = arith.muli %arg1, %mul3A : i32
    %mul3A_1 = arith.constant 10240 : i32
    %mul3A_2 = arith.muli %arg0, %mul3A_1 : i32
    %add3A = arith.addi %mul3A_2, %mul3A_0 : i32
    "tpu.region"() ({
      %run_scoped3A = tpu.sem_alloc : memref<!tpu.dma_semaphore, #tpu.memory_space<semaphore_mem>>
      %dma_start3A = arith.constant 0 : i32
      %dma_start3A_11 = tpu.memref_slice %arg7[%mul3A_0, %dma_start3A] : memref<10240x128xf32, #tpu.memory_space<vmem_shared>> -> memref<640x128xf32, #tpu.memory_space<vmem_shared>>
      %dma_start3A_12 = arith.constant 0 : i32
      %dma_start3A_13 = tpu.memref_slice %arg2[%add3A, %dma_start3A_12] : memref<20480x128xf32, #tpu.memory_space<hbm>> -> memref<640x128xf32, #tpu.memory_space<hbm>>
      tpu.enqueue_dma source(%dma_start3A_13 : memref<640x128xf32, #tpu.memory_space<hbm>>) target(%dma_start3A_11 : memref<640x128xf32, #tpu.memory_space<vmem_shared>>) target_semaphore(%run_scoped3A : memref<!tpu.dma_semaphore, #tpu.memory_space<semaphore_mem>>)
      %dma_wait3A = arith.constant 0 : i32
      %dma_wait3A_14 = tpu.memref_slice %arg7[%mul3A_0, %dma_wait3A] : memref<10240x128xf32, #tpu.memory_space<vmem_shared>> -> memref<640x128xf32, #tpu.memory_space<vmem_shared>>
      %dma_wait3A_15 = arith.constant 0 : i32
      %dma_wait3A_16 = tpu.memref_slice %arg2[%add3A, %dma_wait3A_15] : memref<20480x128xf32, #tpu.memory_space<hbm>> -> memref<640x128xf32, #tpu.memory_space<hbm>>
      tpu.wait_dma2 semaphore(%run_scoped3A : memref<!tpu.dma_semaphore, #tpu.memory_space<semaphore_mem>>) src(%dma_wait3A_16 : memref<640x128xf32, #tpu.memory_space<hbm>>) dst(%dma_wait3A_14 : memref<640x128xf32, #tpu.memory_space<vmem_shared>>)
      tpu.yield
    }) : () -> ()
    %barrier3A = arith.constant 0 : index
    tpu.barrier barrier_id(%barrier3A)
    %mul3A_3 = arith.constant 158 : i32
    %mul3A_4 = arith.muli %arg1, %mul3A_3 : i32
    %scan3A = arith.constant 0 : i32
    %scan3A_5 = arith.constant 0 : i32
    %scan3A_6 = arith.constant 158 : i32
    %scan3A_7 = arith.addi %scan3A_5, %scan3A_6 : i32
    %scan3A_8 = arith.constant 1 : i32
    scf.for %scan3A_11 = %scan3A_5 to %scan3A_7 step %scan3A_8  : i32 {
      %add3A_12 = arith.addi %mul3A_4, %scan3A_11 : i32
      "tpu.region"() ({
        %run_scoped3A_14 = tpu.sem_alloc : memref<!tpu.dma_semaphore, #tpu.memory_space<semaphore_mem>>
        %dma_start3A = arith.constant 0 : i32
        %dma_start3A_15 = arith.constant 0 : i32
        %dma_start3A_16 = tpu.memref_slice %arg3[%arg0, %add3A_12, %dma_start3A, %dma_start3A_15] : memref<2x2528x2x128xi32, #tpu.memory_space<hbm>> -> memref<1x1x2x128xi32, #tpu.memory_space<hbm>>
        %dma_start3A_17 = tpu.memref_squeeze %dma_start3A_16 : memref<1x1x2x128xi32, #tpu.memory_space<hbm>> -> memref<2x128xi32, #tpu.memory_space<hbm>>
        %dma_start3A_18 = arith.constant 0 : i32
        %dma_start3A_19 = arith.constant 0 : i32
        %dma_start3A_20 = tpu.memref_slice %arg3[%arg0, %add3A_12, %dma_start3A_18, %dma_start3A_19] : memref<2x2528x2x128xi32, #tpu.memory_space<hbm>> -> memref<1x1x2x128xi32, #tpu.memory_space<hbm>>
        %dma_start3A_21 = tpu.memref_squeeze %dma_start3A_20 : memref<1x1x2x128xi32, #tpu.memory_space<hbm>> -> memref<2x128xi32, #tpu.memory_space<hbm>>
        tpu.enqueue_dma source(%dma_start3A_21 : memref<2x128xi32, #tpu.memory_space<hbm>>) target(%arg5 : memref<2x128xi32, #tpu.memory_space<vmem>>) target_semaphore(%run_scoped3A_14 : memref<!tpu.dma_semaphore, #tpu.memory_space<semaphore_mem>>)
        %dma_wait3A = arith.constant 0 : i32
        %dma_wait3A_22 = arith.constant 0 : i32
        %dma_wait3A_23 = tpu.memref_slice %arg3[%arg0, %add3A_12, %dma_wait3A, %dma_wait3A_22] : memref<2x2528x2x128xi32, #tpu.memory_space<hbm>> -> memref<1x1x2x128xi32, #tpu.memory_space<hbm>>
        %dma_wait3A_24 = tpu.memref_squeeze %dma_wait3A_23 : memref<1x1x2x128xi32, #tpu.memory_space<hbm>> -> memref<2x128xi32, #tpu.memory_space<hbm>>
        %dma_wait3A_25 = arith.constant 0 : i32
        %dma_wait3A_26 = arith.constant 0 : i32
        %dma_wait3A_27 = tpu.memref_slice %arg3[%arg0, %add3A_12, %dma_wait3A_25, %dma_wait3A_26] : memref<2x2528x2x128xi32, #tpu.memory_space<hbm>> -> memref<1x1x2x128xi32, #tpu.memory_space<hbm>>
        %dma_wait3A_28 = tpu.memref_squeeze %dma_wait3A_27 : memref<1x1x2x128xi32, #tpu.memory_space<hbm>> -> memref<2x128xi32, #tpu.memory_space<hbm>>
        tpu.wait_dma2 semaphore(%run_scoped3A_14 : memref<!tpu.dma_semaphore, #tpu.memory_space<semaphore_mem>>) src(%dma_wait3A_28 : memref<2x128xi32, #tpu.memory_space<hbm>>) dst(%arg5 : memref<2x128xi32, #tpu.memory_space<vmem>>)
        tpu.yield
      }) : () -> ()
      %run_scoped3A = arith.constant 0 : i32
      "tpu.region"() ({
        %run_scoped3A_14 = tpu.sem_alloc : memref<!tpu.dma_semaphore, #tpu.memory_space<semaphore_mem>>
        %dma_start3A = arith.constant 0 : i32
        %dma_start3A_15 = tpu.memref_slice %arg5[%run_scoped3A, %dma_start3A] : memref<2x128xi32, #tpu.memory_space<vmem>> -> memref<1x128xi32, #tpu.memory_space<vmem>>
        %dma_start3A_16 = tpu.memref_squeeze %dma_start3A_15 : memref<1x128xi32, #tpu.memory_space<vmem>> -> memref<128xi32, #tpu.memory_space<vmem>>
        %dma_start3A_17 = arith.constant 0 : i32
        %dma_start3A_18 = arith.constant 0 : i32
        %dma_start3A_19 = tpu.memref_slice %arg2[%dma_start3A_17, %dma_start3A_18] : memref<20480x128xf32, #tpu.memory_space<hbm>> -> memref<20480x128xf32, #tpu.memory_space<hbm>>
        tpu.enqueue_indirect_dma source(%dma_start3A_19 : memref<20480x128xf32, #tpu.memory_space<hbm>>) target(%arg6 : memref<128x128xf32, #tpu.memory_space<vmem>>) offsets(%dma_start3A_16 : memref<128xi32, #tpu.memory_space<vmem>>) semaphore(%run_scoped3A_14 : memref<!tpu.dma_semaphore, #tpu.memory_space<semaphore_mem>>)
        %dma_wait3A = arith.constant 0 : i32
        %dma_wait3A_20 = tpu.memref_slice %arg5[%run_scoped3A, %dma_wait3A] : memref<2x128xi32, #tpu.memory_space<vmem>> -> memref<1x128xi32, #tpu.memory_space<vmem>>
        %dma_wait3A_21 = tpu.memref_squeeze %dma_wait3A_20 : memref<1x128xi32, #tpu.memory_space<vmem>> -> memref<128xi32, #tpu.memory_space<vmem>>
        %dma_wait3A_22 = arith.constant 0 : i32
        %dma_wait3A_23 = arith.constant 0 : i32
        %dma_wait3A_24 = tpu.memref_slice %arg2[%dma_wait3A_22, %dma_wait3A_23] : memref<20480x128xf32, #tpu.memory_space<hbm>> -> memref<20480x128xf32, #tpu.memory_space<hbm>>
        tpu.wait_indirect_dma semaphore(%run_scoped3A_14 : memref<!tpu.dma_semaphore, #tpu.memory_space<semaphore_mem>>) src(%dma_wait3A_24 : memref<20480x128xf32, #tpu.memory_space<hbm>>) dst(%arg6 : memref<128x128xf32, #tpu.memory_space<vmem>>)
        tpu.yield
      }) : () -> ()
      %run_scoped3A_13 = arith.constant 1 : i32
      "tpu.region"() ({
        %run_scoped3A_14 = tpu.sem_alloc : memref<!tpu.dma_semaphore, #tpu.memory_space<semaphore_mem>>
        %dma_start3A = arith.constant 0 : i32
        %dma_start3A_15 = tpu.memref_slice %arg5[%run_scoped3A_13, %dma_start3A] : memref<2x128xi32, #tpu.memory_space<vmem>> -> memref<1x128xi32, #tpu.memory_space<vmem>>
        %dma_start3A_16 = tpu.memref_squeeze %dma_start3A_15 : memref<1x128xi32, #tpu.memory_space<vmem>> -> memref<128xi32, #tpu.memory_space<vmem>>
        %dma_start3A_17 = arith.constant 0 : i32
        %dma_start3A_18 = arith.constant 0 : i32
        %dma_start3A_19 = tpu.memref_slice %arg7[%dma_start3A_17, %dma_start3A_18] : memref<10240x128xf32, #tpu.memory_space<vmem_shared>> -> memref<10240x128xf32, #tpu.memory_space<vmem_shared>>
        tpu.enqueue_indirect_dma source(%arg6 : memref<128x128xf32, #tpu.memory_space<vmem>>) target(%dma_start3A_19 : memref<10240x128xf32, #tpu.memory_space<vmem_shared>>) offsets(%dma_start3A_16 : memref<128xi32, #tpu.memory_space<vmem>>) semaphore(%run_scoped3A_14 : memref<!tpu.dma_semaphore, #tpu.memory_space<semaphore_mem>>) {add = true}
        %dma_wait3A = arith.constant 0 : i32
        %dma_wait3A_20 = tpu.memref_slice %arg5[%run_scoped3A_13, %dma_wait3A] : memref<2x128xi32, #tpu.memory_space<vmem>> -> memref<1x128xi32, #tpu.memory_space<vmem>>
        %dma_wait3A_21 = tpu.memref_squeeze %dma_wait3A_20 : memref<1x128xi32, #tpu.memory_space<vmem>> -> memref<128xi32, #tpu.memory_space<vmem>>
        %dma_wait3A_22 = arith.constant 0 : i32
        %dma_wait3A_23 = arith.constant 0 : i32
        %dma_wait3A_24 = tpu.memref_slice %arg7[%dma_wait3A_22, %dma_wait3A_23] : memref<10240x128xf32, #tpu.memory_space<vmem_shared>> -> memref<10240x128xf32, #tpu.memory_space<vmem_shared>>
        tpu.wait_indirect_dma semaphore(%run_scoped3A_14 : memref<!tpu.dma_semaphore, #tpu.memory_space<semaphore_mem>>) src(%arg6 : memref<128x128xf32, #tpu.memory_space<vmem>>) dst(%dma_wait3A_24 : memref<10240x128xf32, #tpu.memory_space<vmem_shared>>)
        tpu.yield
      }) : () -> ()
    }
    %scan3A_9 = arith.constant 158 : i32
    %barrier3A_10 = arith.constant 0 : index
    tpu.barrier barrier_id(%barrier3A_10)
    "tpu.region"() ({
      %run_scoped3A = tpu.sem_alloc : memref<!tpu.dma_semaphore, #tpu.memory_space<semaphore_mem>>
      %dma_start3A = arith.constant 0 : i32
      %dma_start3A_11 = tpu.memref_slice %arg4[%arg0, %mul3A_0, %dma_start3A] : memref<2x10240x128xf32, #tpu.memory_space<hbm>> -> memref<1x640x128xf32, #tpu.memory_space<hbm>>
      %dma_start3A_12 = tpu.memref_squeeze %dma_start3A_11 : memref<1x640x128xf32, #tpu.memory_space<hbm>> -> memref<640x128xf32, #tpu.memory_space<hbm>>
      %dma_start3A_13 = arith.constant 0 : i32
      %dma_start3A_14 = tpu.memref_slice %arg7[%mul3A_0, %dma_start3A_13] : memref<10240x128xf32, #tpu.memory_space<vmem_shared>> -> memref<640x128xf32, #tpu.memory_space<vmem_shared>>
      tpu.enqueue_dma source(%dma_start3A_14 : memref<640x128xf32, #tpu.memory_space<vmem_shared>>) target(%dma_start3A_12 : memref<640x128xf32, #tpu.memory_space<hbm>>) target_semaphore(%run_scoped3A : memref<!tpu.dma_semaphore, #tpu.memory_space<semaphore_mem>>)
      %dma_wait3A = arith.constant 0 : i32
      %dma_wait3A_15 = tpu.memref_slice %arg4[%arg0, %mul3A_0, %dma_wait3A] : memref<2x10240x128xf32, #tpu.memory_space<hbm>> -> memref<1x640x128xf32, #tpu.memory_space<hbm>>
      %dma_wait3A_16 = tpu.memref_squeeze %dma_wait3A_15 : memref<1x640x128xf32, #tpu.memory_space<hbm>> -> memref<640x128xf32, #tpu.memory_space<hbm>>
      %dma_wait3A_17 = arith.constant 0 : i32
      %dma_wait3A_18 = tpu.memref_slice %arg7[%mul3A_0, %dma_wait3A_17] : memref<10240x128xf32, #tpu.memory_space<vmem_shared>> -> memref<640x128xf32, #tpu.memory_space<vmem_shared>>
      tpu.wait_dma2 semaphore(%run_scoped3A : memref<!tpu.dma_semaphore, #tpu.memory_space<semaphore_mem>>) src(%dma_wait3A_18 : memref<640x128xf32, #tpu.memory_space<vmem_shared>>) dst(%dma_wait3A_16 : memref<640x128xf32, #tpu.memory_space<hbm>>)
      tpu.yield
    }) : () -> ()
    return
  }
}

module attributes {stable_mosaic.version = 14 : i64} {
  func.func @_tc1_body(%arg0: i32, %arg1: i32, %arg2: memref<512x128xf32, #tpu.memory_space<vmem>>, %arg3: memref<128x128xf32, #tpu.memory_space<vmem>>, %arg4: memref<2x512x128xf32, #tpu.memory_space<vmem>>, %arg5: memref<1x512x128xf32, #tpu.memory_space<vmem>>, %arg6: memref<512x1xf32, #tpu.memory_space<vmem>>) attributes {dimension_semantics = [#tpu.dimension_semantics<arbitrary>, #tpu.dimension_semantics<arbitrary>], iteration_bounds = array<i64: 20, 2>, scalar_prefetch = 0 : i64, scratch_operands = 0 : i64, tpu.core_type = #tpu.core_type<tc>, window_params = [{transform_indices = @transform_0, window_bounds = array<i64: 512, 128>}, {transform_indices = @transform_1, window_bounds = array<i64: 128, 128>}, {transform_indices = @transform_2, window_bounds = array<i64: 2, 512, 128>}, {transform_indices = @transform_3, window_bounds = array<i64: 1, 512, 128>}, {transform_indices = @transform_4, window_bounds = array<i64: 512, 1>}]} {
    %get3A = arith.constant 0 : index
    %get3A_0 = arith.constant 0 : index
    %get3A_1 = arith.constant 0 : index
    %get3A_2 = vector.load %arg4[%get3A, %get3A_0, %get3A_1] : memref<2x512x128xf32, #tpu.memory_space<vmem>>, vector<1x512x1xf32>
    %get3A_3 = vector.shape_cast %get3A_2 : vector<1x512x1xf32> to vector<512x1xf32>
    %get3A_4 = arith.constant 1 : index
    %get3A_5 = arith.constant 0 : index
    %get3A_6 = arith.constant 0 : index
    %get3A_7 = vector.load %arg4[%get3A_4, %get3A_5, %get3A_6] : memref<2x512x128xf32, #tpu.memory_space<vmem>>, vector<1x512x1xf32>
    %get3A_8 = vector.shape_cast %get3A_7 : vector<1x512x1xf32> to vector<512x1xf32>
    %add3A = arith.addf %get3A_3, %get3A_8 : vector<512x1xf32>
    %add3A_9 = arith.constant 1.000000e+00 : f32
    %add3A_10 = vector.broadcast %add3A_9 : f32 to vector<512x1xf32>
    %add3A_11 = arith.addf %add3A, %add3A_10 : vector<512x1xf32>
    %rsqrt3A = math.rsqrt %add3A_11 : vector<512x1xf32>
    %get3A_12 = arith.constant 0 : index
    %get3A_13 = arith.constant 0 : index
    %get3A_14 = vector.load %arg2[%get3A_12, %get3A_13] : memref<512x128xf32, #tpu.memory_space<vmem>>, vector<512x128xf32>
    %get3A_15 = arith.constant 0 : index
    %get3A_16 = arith.constant 0 : index
    %get3A_17 = vector.load %arg3[%get3A_15, %get3A_16] : memref<128x128xf32, #tpu.memory_space<vmem>>, vector<128x128xf32>
    %dot_general3A = arith.constant dense<0.000000e+00> : vector<512x128xf32>
    %dot_general3A_18 = tpu.matmul %get3A_14, %get3A_17, %dot_general3A {dimension_numbers = #tpu.dot_dimension_numbers<[1], [0], [0], [1], [0, 0, 1, 1], [], []>, transpose_lhs_hint = false} : vector<512x128xf32>, vector<128x128xf32>, vector<512x128xf32> -> vector<512x128xf32>
    %mul3A = vector.broadcast %rsqrt3A : vector<512x1xf32> to vector<512x128xf32>
    %mul3A_19 = arith.mulf %dot_general3A_18, %mul3A : vector<512x128xf32>
    %swap3A = arith.constant 0 : index
    %swap3A_20 = arith.constant 0 : index
    %swap3A_21 = arith.constant 0 : index
    %swap3A_22 = vector.load %arg5[%swap3A, %swap3A_20, %swap3A_21] : memref<1x512x128xf32, #tpu.memory_space<vmem>>, vector<1x512x128xf32>
    %swap3A_23 = vector.shape_cast %swap3A_22 : vector<1x512x128xf32> to vector<512x128xf32>
    %swap3A_24 = vector.shape_cast %mul3A_19 : vector<512x128xf32> to vector<1x512x128xf32>
    tpu.vector_store %arg5[%swap3A, %swap3A_20, %swap3A_21], %swap3A_24 {strides = array<i32>} : memref<1x512x128xf32, #tpu.memory_space<vmem>>, vector<1x512x128xf32>,
    %swap3A_25 = arith.constant 0 : index
    %swap3A_26 = arith.constant 0 : index
    %swap3A_27 = vector.load %arg6[%swap3A_25, %swap3A_26] : memref<512x1xf32, #tpu.memory_space<vmem>>, vector<512x1xf32>
    tpu.vector_store %arg6[%swap3A_25, %swap3A_26], %rsqrt3A {strides = array<i32>} : memref<512x1xf32, #tpu.memory_space<vmem>>, vector<512x1xf32>,
    return
  }
  func.func @transform_0(%arg0: i32, %arg1: i32) -> (i32, i32) {
    %c0_i32 = arith.constant 0 : i32
    %c0_i32_0 = arith.constant 0 : i32
    return %arg0, %c0_i32 : i32, i32
  }
  func.func @transform_1(%arg0: i32, %arg1: i32) -> (i32, i32) {
    %c0_i32 = arith.constant 0 : i32
    %c0_i32_0 = arith.constant 0 : i32
    return %c0_i32, %arg1 : i32, i32
  }
  func.func @transform_2(%arg0: i32, %arg1: i32) -> (i32, i32, i32) {
    %c0_i32 = arith.constant 0 : i32
    %c0_i32_0 = arith.constant 0 : i32
    %c0_i32_1 = arith.constant 0 : i32
    return %c0_i32, %arg0, %c0_i32_0 : i32, i32, i32
  }
  func.func @transform_3(%arg0: i32, %arg1: i32) -> (i32, i32, i32) {
    %c0_i32 = arith.constant 0 : i32
    %c0_i32_0 = arith.constant 0 : i32
    return %arg1, %arg0, %c0_i32 : i32, i32, i32
  }
  func.func @transform_4(%arg0: i32, %arg1: i32) -> (i32, i32) {
    %c0_i32 = arith.constant 0 : i32
    %c0_i32_0 = arith.constant 0 : i32
    return %arg0, %c0_i32 : i32, i32
  }
}

module attributes {stable_mosaic.version = 14 : i64} {
  func.func @_tc2_body(%arg0: i32, %arg1: memref<2x512x128xf32, #tpu.memory_space<vmem>>, %arg2: memref<512x1xf32, #tpu.memory_space<vmem>>, %arg3: memref<1x256xf32, #tpu.memory_space<vmem>>, %arg4: memref<256x128xf32, #tpu.memory_space<vmem>>, %arg5: memref<512x128xf32, #tpu.memory_space<vmem>>) attributes {dimension_semantics = [#tpu.dimension_semantics<arbitrary>], iteration_bounds = array<i64: 20>, scalar_prefetch = 0 : i64, scratch_operands = 0 : i64, tpu.core_type = #tpu.core_type<tc>, window_params = [{transform_indices = @transform_0, window_bounds = array<i64: 2, 512, 128>}, {transform_indices = @transform_1, window_bounds = array<i64: 512, 1>}, {pipeline_mode = #tpu.pipeline_mode<synchronous>, transform_indices = @transform_2, window_bounds = array<i64: 1, 256>}, {pipeline_mode = #tpu.pipeline_mode<synchronous>, transform_indices = @transform_3, window_bounds = array<i64: 256, 128>}, {transform_indices = @transform_4, window_bounds = array<i64: 512, 128>}]} {
    %get3A = arith.constant 0 : index
    %get3A_0 = arith.constant 0 : index
    %get3A_1 = arith.constant 0 : index
    %get3A_2 = vector.load %arg1[%get3A, %get3A_0, %get3A_1] : memref<2x512x128xf32, #tpu.memory_space<vmem>>, vector<2x512x128xf32>
    %slice3A = vector.extract_strided_slice %get3A_2 {offsets = [0, 0, 0], sizes = [1, 512, 128], strides = [1, 1, 1]} : vector<2x512x128xf32> to vector<1x512x128xf32>
    %squeeze3A = vector.shape_cast %slice3A : vector<1x512x128xf32> to vector<512x128xf32>
    %slice3A_3 = vector.extract_strided_slice %get3A_2 {offsets = [1, 0, 0], sizes = [1, 512, 128], strides = [1, 1, 1]} : vector<2x512x128xf32> to vector<1x512x128xf32>
    %squeeze3A_4 = vector.shape_cast %slice3A_3 : vector<1x512x128xf32> to vector<512x128xf32>
    %concatenate3A = tpu.concatenate %squeeze3A, %squeeze3A_4 in 1 : vector<512x128xf32>, vector<512x128xf32> -> vector<512x256xf32>
    %get3A_5 = arith.constant 0 : index
    %get3A_6 = arith.constant 0 : index
    %get3A_7 = vector.load %arg2[%get3A_5, %get3A_6] : memref<512x1xf32, #tpu.memory_space<vmem>>, vector<512x1xf32>
    %mul3A = vector.broadcast %get3A_7 : vector<512x1xf32> to vector<512x256xf32>
    %mul3A_8 = arith.mulf %concatenate3A, %mul3A : vector<512x256xf32>
    %get3A_9 = arith.constant 0 : index
    %get3A_10 = arith.constant 0 : index
    %get3A_11 = vector.load %arg3[%get3A_9, %get3A_10] : memref<1x256xf32, #tpu.memory_space<vmem>>, vector<1x256xf32>
    %add3A = vector.broadcast %get3A_11 : vector<1x256xf32> to vector<512x256xf32>
    %add3A_12 = arith.addf %mul3A_8, %add3A : vector<512x256xf32>
    %max3A = arith.constant 0.000000e+00 : f32
    %max3A_13 = vector.broadcast %max3A : f32 to vector<512x256xf32>
    %max3A_14 = arith.maximumf %add3A_12, %max3A_13 : vector<512x256xf32>
    %get3A_15 = arith.constant 0 : index
    %get3A_16 = arith.constant 0 : index
    %get3A_17 = vector.load %arg4[%get3A_15, %get3A_16] : memref<256x128xf32, #tpu.memory_space<vmem>>, vector<256x128xf32>
    %dot_general3A = arith.constant dense<0.000000e+00> : vector<512x128xf32>
    %dot_general3A_18 = tpu.matmul %max3A_14, %get3A_17, %dot_general3A {dimension_numbers = #tpu.dot_dimension_numbers<[1], [0], [0], [1], [0, 0, 1, 1], [], []>, transpose_lhs_hint = false} : vector<512x256xf32>, vector<256x128xf32>, vector<512x128xf32> -> vector<512x128xf32>
    %get3A_19 = arith.constant 0 : index
    %get3A_20 = arith.constant 0 : index
    %get3A_21 = vector.load %arg2[%get3A_19, %get3A_20] : memref<512x1xf32, #tpu.memory_space<vmem>>, vector<512x1xf32>
    %mul3A_22 = vector.broadcast %get3A_21 : vector<512x1xf32> to vector<512x128xf32>
    %mul3A_23 = arith.mulf %dot_general3A_18, %mul3A_22 : vector<512x128xf32>
    %swap3A = arith.constant 0 : index
    %swap3A_24 = arith.constant 0 : index
    %swap3A_25 = vector.load %arg5[%swap3A, %swap3A_24] : memref<512x128xf32, #tpu.memory_space<vmem>>, vector<512x128xf32>
    tpu.vector_store %arg5[%swap3A, %swap3A_24], %mul3A_23 {strides = array<i32>} : memref<512x128xf32, #tpu.memory_space<vmem>>, vector<512x128xf32>,
    return
  }
  func.func @transform_0(%arg0: i32) -> (i32, i32, i32) {
    %c0_i32 = arith.constant 0 : i32
    %c0_i32_0 = arith.constant 0 : i32
    %c0_i32_1 = arith.constant 0 : i32
    return %c0_i32, %arg0, %c0_i32_0 : i32, i32, i32
  }
  func.func @transform_1(%arg0: i32) -> (i32, i32) {
    %c0_i32 = arith.constant 0 : i32
    %c0_i32_0 = arith.constant 0 : i32
    return %arg0, %c0_i32 : i32, i32
  }
  func.func @transform_2(%arg0: i32) -> (i32, i32) {
    %c0_i32 = arith.constant 0 : i32
    %c0_i32_0 = arith.constant 0 : i32
    %c0_i32_1 = arith.constant 0 : i32
    return %c0_i32, %c0_i32_0 : i32, i32
  }
  func.func @transform_3(%arg0: i32) -> (i32, i32) {
    %c0_i32 = arith.constant 0 : i32
    %c0_i32_0 = arith.constant 0 : i32
    %c0_i32_1 = arith.constant 0 : i32
    return %c0_i32, %c0_i32_0 : i32, i32
  }
  func.func @transform_4(%arg0: i32) -> (i32, i32) {
    %c0_i32 = arith.constant 0 : i32
    %c0_i32_0 = arith.constant 0 : i32
    return %arg0, %c0_i32 : i32, i32
  }
}

module attributes {stable_mosaic.version = 14 : i64} {
  func.func @_tc3_body(%arg0: i32, %arg1: memref<2x512x128xf32, #tpu.memory_space<vmem>>, %arg2: memref<512x128xf32, #tpu.memory_space<vmem>>, %arg3: memref<512x1xf32, #tpu.memory_space<vmem>>, %arg4: memref<1x128xf32, #tpu.memory_space<vmem>>, %arg5: memref<512x128xf32, #tpu.memory_space<vmem>>) attributes {dimension_semantics = [#tpu.dimension_semantics<arbitrary>], iteration_bounds = array<i64: 20>, scalar_prefetch = 0 : i64, scratch_operands = 0 : i64, tpu.core_type = #tpu.core_type<tc>, window_params = [{transform_indices = @transform_0, window_bounds = array<i64: 2, 512, 128>}, {transform_indices = @transform_1, window_bounds = array<i64: 512, 128>}, {transform_indices = @transform_2, window_bounds = array<i64: 512, 1>}, {pipeline_mode = #tpu.pipeline_mode<synchronous>, transform_indices = @transform_3, window_bounds = array<i64: 1, 128>}, {transform_indices = @transform_4, window_bounds = array<i64: 512, 128>}]} {
    %get3A = arith.constant 0 : index
    %get3A_0 = arith.constant 0 : index
    %get3A_1 = arith.constant 0 : index
    %get3A_2 = vector.load %arg1[%get3A, %get3A_0, %get3A_1] : memref<2x512x128xf32, #tpu.memory_space<vmem>>, vector<2x512x128xf32>
    %slice3A = vector.extract_strided_slice %get3A_2 {offsets = [0, 0, 0], sizes = [1, 512, 128], strides = [1, 1, 1]} : vector<2x512x128xf32> to vector<1x512x128xf32>
    %squeeze3A = vector.shape_cast %slice3A : vector<1x512x128xf32> to vector<512x128xf32>
    %slice3A_3 = vector.extract_strided_slice %get3A_2 {offsets = [1, 0, 0], sizes = [1, 512, 128], strides = [1, 1, 1]} : vector<2x512x128xf32> to vector<1x512x128xf32>
    %squeeze3A_4 = vector.shape_cast %slice3A_3 : vector<1x512x128xf32> to vector<512x128xf32>
    %add3A = arith.addf %squeeze3A, %squeeze3A_4 : vector<512x128xf32>
    %get3A_5 = arith.constant 0 : index
    %get3A_6 = arith.constant 0 : index
    %get3A_7 = vector.load %arg2[%get3A_5, %get3A_6] : memref<512x128xf32, #tpu.memory_space<vmem>>, vector<512x128xf32>
    %add3A_8 = arith.addf %add3A, %get3A_7 : vector<512x128xf32>
    %get3A_9 = arith.constant 0 : index
    %get3A_10 = arith.constant 0 : index
    %get3A_11 = vector.load %arg3[%get3A_9, %get3A_10] : memref<512x1xf32, #tpu.memory_space<vmem>>, vector<512x1xf32>
    %mul3A = vector.broadcast %get3A_11 : vector<512x1xf32> to vector<512x128xf32>
    %mul3A_12 = arith.mulf %add3A_8, %mul3A : vector<512x128xf32>
    %get3A_13 = arith.constant 0 : index
    %get3A_14 = arith.constant 0 : index
    %get3A_15 = vector.load %arg4[%get3A_13, %get3A_14] : memref<1x128xf32, #tpu.memory_space<vmem>>, vector<1x128xf32>
    %add3A_16 = vector.broadcast %get3A_15 : vector<1x128xf32> to vector<512x128xf32>
    %add3A_17 = arith.addf %mul3A_12, %add3A_16 : vector<512x128xf32>
    %reduce_max3A = arith.constant dense<0xFF800000> : vector<512xf32>
    %reduce_max3A_18 = vector.multi_reduction <maximumf>, %add3A_17, %reduce_max3A [1] : vector<512x128xf32> to vector<512xf32>
    %broadcast_in_dim3A = vector.shape_cast %reduce_max3A_18 : vector<512xf32> to vector<512x1xf32>
    %sub3A = vector.broadcast %broadcast_in_dim3A : vector<512x1xf32> to vector<512x128xf32>
    %sub3A_19 = arith.subf %add3A_17, %sub3A : vector<512x128xf32>
    %exp3A = math.exp %sub3A_19 : vector<512x128xf32>
    %reduce_sum3A = arith.constant dense<0.000000e+00> : vector<512xf32>
    %reduce_sum3A_20 = vector.multi_reduction <add>, %exp3A, %reduce_sum3A [1] : vector<512x128xf32> to vector<512xf32>
    %broadcast_in_dim3A_21 = vector.shape_cast %reduce_sum3A_20 : vector<512xf32> to vector<512x1xf32>
    %log3A = math.log %broadcast_in_dim3A_21 : vector<512x1xf32>
    %sub3A_22 = vector.broadcast %log3A : vector<512x1xf32> to vector<512x128xf32>
    %sub3A_23 = arith.subf %sub3A_19, %sub3A_22 : vector<512x128xf32>
    %swap3A = arith.constant 0 : index
    %swap3A_24 = arith.constant 0 : index
    %swap3A_25 = vector.load %arg5[%swap3A, %swap3A_24] : memref<512x128xf32, #tpu.memory_space<vmem>>, vector<512x128xf32>
    tpu.vector_store %arg5[%swap3A, %swap3A_24], %sub3A_23 {strides = array<i32>} : memref<512x128xf32, #tpu.memory_space<vmem>>, vector<512x128xf32>,
    return
  }
  func.func @transform_0(%arg0: i32) -> (i32, i32, i32) {
    %c0_i32 = arith.constant 0 : i32
    %c0_i32_0 = arith.constant 0 : i32
    %c0_i32_1 = arith.constant 0 : i32
    return %c0_i32, %arg0, %c0_i32_0 : i32, i32, i32
  }
  func.func @transform_1(%arg0: i32) -> (i32, i32) {
    %c0_i32 = arith.constant 0 : i32
    %c0_i32_0 = arith.constant 0 : i32
    return %arg0, %c0_i32 : i32, i32
  }
  func.func @transform_2(%arg0: i32) -> (i32, i32) {
    %c0_i32 = arith.constant 0 : i32
    %c0_i32_0 = arith.constant 0 : i32
    return %arg0, %c0_i32 : i32, i32
  }
  func.func @transform_3(%arg0: i32) -> (i32, i32) {
    %c0_i32 = arith.constant 0 : i32
    %c0_i32_0 = arith.constant 0 : i32
    %c0_i32_1 = arith.constant 0 : i32
    return %c0_i32, %c0_i32_0 : i32, i32
  }
  func.func @transform_4(%arg0: i32) -> (i32, i32) {
    %c0_i32 = arith.constant 0 : i32
    %c0_i32_0 = arith.constant 0 : i32
    return %arg0, %c0_i32 : i32, i32
  }
}

</mosaic_0001>

<sc_bundles>
// kernel: kernel.11.cloned.1.call-start
scs
__scs_entry_jumppad:
0x0: {  	(pc) =	sbr.rel $0x88, $3  }
0x1: {  	(tag) =	ssettag $0x0;
	lr =	simm.s32 $0x1  }
0x2: {  	[smem:$0x3F9B] =	sst lr;
	_ =	strace $0xD0000000  }
0x3: {  	_ = 	snop  }
0x4: {  	_ = 	snop  }
0x5: {  	_ = 	snop  }
0x6: {  	_ = 	snop  }
0x7: {  	_ = 	snop  }
__scs_overlays_trampoline_lowered:
0x8: {  	[smem:$0x3FAA] =	sst s0  }
0x9: {  	[smem:$0x3FAB] =	sst s1  }
0xa: {  	[smem:$0x3FAC] =	sst s2  }
0xb: {  	[smem:$0x3FAD] =	sst s3  }
0xc: {  	[smem:$0x3FAE] =	sst s4  }
0xd: {  	[smem:$0x3FAF] =	sst s5  }
0xe: {  	[smem:$0x3FB0] =	sst s6  }
0xf: {  	[smem:$0x3FB1] =	sst s7  }
0x10: {  	[smem:$0x3FB2] =	sst s8  }
0x11: {  	[smem:$0x3FB3] =	sst s9;
	s0 =	simm.s32 @!p0 $0x0  }
0x12: {  	s1 =	sld [smem:$0x3F99];
	s0 =	simm.s32 @p0 $0x1  }
0x13: {  	[smem:$0x3FB4] =	sst s0;
	s0 =	simm.s32 @!p1 $0x0  }
0x14: {  	s2 =	sld [smem:$0x3F98];
	s0 =	simm.s32 @p1 $0x1  }
0x15: {  	[smem:$0x3FB5] =	sst s0;
	s0 =	simm.s32 @!p2 $0x0  }
0x16: {  	s3 =	sld [smem:$0x3FDB];
	s0 =	simm.s32 @p2 $0x1  }
0x17: {  	s4 =	simm.s32 $0x1BF5;
	[smem:$0x3FB7] =	sst s0  }
0x18: {  	s0 =	sld [smem:$0x3F9A];
	_ =	swait.ge [sflag:s4], $0x0  }
0x19: {  	s7 =	sld [smem:$0x3F9B]  }
0x1a: {  	s8 =	sadd.s32 $0xFFFFE003, lr  }
0x1b: {  	s9 =	sadd.s32 $0xFFFFFEF7, lr;
	s5 =	simm.s32 $0xFFFFFFFF;
	p2 =	slt.u32 s8, $0xFFFFF086  }
0x1c: {  	p1 =	slt.u32 s9, $0xF7A;
	s5 =	simm.s32 @!p2 $0x0  }
0x1d: {  	s5 =	simm.s32 @p1 $0x1;
	p0 =	seq.s32 s7, s2  }
0x1e: {  	s7 =	smul.u32 @!p0 $0xF7A, s2;
	p2 =	seq.s32 @!p0 s5, $0x0  }
0x1f: {  	s9 =	smul.u32 $0xF7A, s1;
	s8 =	simm.s32 @!p0 $0x1BF5;
	p2 =	por !p2, p0  }
0x20: {  	[sflag:s8] =	ssyncset.s32 @!p0 $0xFFFFF086;
	s6 =	sadd.s32 @!p0 s3, s7;
	s7 =	simm.s32 @!p0 $0x108  }
0x21: {  	s3 =	sadd.s32 s3, s9;
	s6 =	sadd.s32 @!p0 $0x88, s6;
	s7 =	simm.s32 @p2 $0x1082  }
0x22: {  	[simem:s7], [sflag:s8] =	dma.local @!p0 [hbm:s6], $0xF7A  }
0x23: {  	s9 =	sor.u32 $0xD0000000, s2;
	s6 =	simm.s32 $0x108;
	_ =	swait.ge @!p0 [sflag:s8], $0x0  }
0x24: {  	s3 =	sadd.s32 $0x88, s3;
	s6 =	simm.s32 @!p1 $0x1082;
	[sflag:s4] =	ssyncset.s32 $0xFFFFF086  }
0x25: {  	[simem:s6], [sflag:s4] =	dma.local [hbm:s3], $0xF7A  }
0x26: {  	[smem:$0x3F9B] =	sst s1;
	(tag) =	ssettag s2;
	_ =	strace s9  }
0x27: {  	s1 =	sld [smem:$0x3FAB]  }
0x28: {  	s2 =	sld [smem:$0x3FAC]  }
0x29: {  	s4 =	sld [smem:$0x3FAE]  }
0x2a: {  	p0 =	seq.s32 s5, $0x0;
	s5 =	sld [smem:$0x3FAF]  }
0x2b: {  	s6 =	sld [smem:$0x3FB0]  }
0x2c: {  	s7 =	sld [smem:$0x3FB1]  }
0x2d: {  	s3 =	simm.s32 $0x108;
	s8 =	sld [smem:$0x3FB2]  }
0x2e: {  	s3 =	simm.s32 @!p0 $0x1082;
	s9 =	sld [smem:$0x3FB3]  }
0x2f: {  	lr =	sadd.s32 s0, s3;
	s0 =	sld [smem:$0x3FAA]  }
0x30: {  	s3 =	sld [smem:$0x3FAD]  }
0x31: {  	[smem:$0x3FB6] =	sst s10  }
0x32: {  	s10 =	sld [smem:$0x3FB4];
	_ =	sdelay $0x3  }
0x33: {  	p0 =	seq.s32 s10, $0x1;
	s10 =	sld [smem:$0x3FB6];
	_ =	sdelay $0x3  }
0x34: {  	[smem:$0x3FB6] =	sst s10  }
0x35: {  	s10 =	sld [smem:$0x3FB5];
	_ =	sdelay $0x3  }
0x36: {  	p1 =	seq.s32 s10, $0x1;
	s10 =	sld [smem:$0x3FB6];
	_ =	sdelay $0x3  }
0x37: {  	[smem:$0x3FB6] =	sst s10  }
0x38: {  	s10 =	sld [smem:$0x3FB7]  }
0x39: {  	_ = 	snop;
	(pc) =	sbr.ind lr, $3  }
0x3a: {  	_ = 	snop  }
0x3b: {  	_ = 	snop  }
0x3c: {  	p2 =	seq.s32 s10, $0x1;
	s10 =	sld [smem:$0x3FB6]  }
0x3d: {  	_ =	shalt  }
0x3e: {  	_ =	shalt  }
0x3f: {  	_ =	shalt  }
0x40: {  	_ =	shalt  }
0x41: {  	_ =	shalt  }
0x42: {  	_ =	shalt  }
0x43: {  	_ =	shalt  }
0x44: {  	_ =	shalt  }
0x45: {  	_ =	shalt  }
0x46: {  	_ =	shalt  }
0x47: {  	_ =	shalt  }
0x48: {  	_ =	shalt  }
0x49: {  	_ =	shalt  }
0x4a: {  	_ =	shalt  }
0x4b: {  	_ =	shalt  }
0x4c: {  	_ =	shalt  }
0x4d: {  	_ =	shalt  }
0x4e: {  	_ =	shalt  }
0x4f: {  	_ =	shalt  }
0x50: {  	_ =	shalt  }
0x51: {  	_ =	shalt  }
0x52: {  	_ =	shalt  }
0x53: {  	_ =	shalt  }
0x54: {  	_ =	shalt  }
0x55: {  	_ =	shalt  }
0x56: {  	_ =	shalt  }
0x57: {  	_ =	shalt  }
0x58: {  	_ =	shalt  }
0x59: {  	_ =	shalt  }
0x5a: {  	_ =	shalt  }
0x5b: {  	_ =	shalt  }
0x5c: {  	_ =	shalt  }
0x5d: {  	_ =	shalt  }
0x5e: {  	_ =	shalt  }
0x5f: {  	_ =	shalt  }
0x60: {  	_ =	shalt  }
0x61: {  	_ =	shalt  }
0x62: {  	_ =	shalt  }
0x63: {  	_ =	shalt  }
0x64: {  	_ =	shalt  }
0x65: {  	_ =	shalt  }
0x66: {  	_ =	shalt  }
0x67: {  	_ =	shalt  }
0x68: {  	_ =	shalt  }
0x69: {  	_ =	shalt  }
0x6a: {  	_ =	shalt  }
0x6b: {  	_ =	shalt  }
0x6c: {  	_ =	shalt  }
0x6d: {  	_ =	shalt  }
0x6e: {  	_ =	shalt  }
0x6f: {  	_ =	shalt  }
0x70: {  	_ =	shalt  }
0x71: {  	_ =	shalt  }
0x72: {  	_ =	shalt  }
0x73: {  	_ =	shalt  }
0x74: {  	_ =	shalt  }
0x75: {  	_ =	shalt  }
0x76: {  	_ =	shalt  }
0x77: {  	_ =	shalt  }
0x78: {  	_ =	shalt  }
0x79: {  	_ =	shalt  }
0x7a: {  	_ =	shalt  }
0x7b: {  	_ =	shalt  }
0x7c: {  	_ =	shalt  }
0x7d: {  	_ =	shalt  }
0x7e: {  	_ =	shalt  }
0x7f: {  	_ =	shalt  }
0x80: {  	_ =	shalt  }
0x81: {  	_ =	shalt  }
0x82: {  	_ =	shalt  }
0x83: {  	_ =	shalt  }
0x84: {  	_ =	shalt  }
0x85: {  	_ =	shalt  }
0x86: {  	_ =	shalt  }
0x87: {  	_ =	shalt  }
.Lfunc_end0:
.L_simem_size_0:
called_computation.1_lowered:
.L_overlay_start_0:
0x88: {  	s2 =	sld [smem:$0x3FD9]  }
0x89: {  	s3 =	sld [smem:$0x3FFE];
	_ =	sdelay $0x1  }
0x8a: {  	s1 =	srdreg.scid  }
0x8b: {  	s0 =	sand.u32 $0x1, s1  }
0x8c: {  	s16 =	sshll.u32 s0, $0xA;
	s2 =	sadd.s32 s3, s2  }
0x8d: {  	s2 =	sadd.s32 s2, s16  }
0x8e: {  	[smem:$0x3FC2] =	sst s2  }
0x8f: {  	_ = 	snop  }
0x90: {  	(tm) =	ssettm $0x1  }
0x91: {  	s17 =	sld [smem:$0x3FFB];
	_ =	sdelay $0x3  }
0x92: {  	_ =	strace s17  }
0x93: {  	s2 =	sld [smem:$0x3FFC];
	_ =	sdelay $0x3  }
0x94: {  	_ =	strace s2  }
0x95: {  	s2 =	sld [smem:$0x3FFD];
	_ =	sdelay $0x3  }
0x96: {  	_ =	strace s2  }
0x97: {  	_ =	strace $0x8FFFFFFF  }
0x98: {  	s18 =	sld [smem:$0x3FDB];
	_ =	sdelay $0x1  }
0x99: {  	s19 =	simm.s32 $_scs_section_size  }
0x9a: {  	s4 =	simm.s32 $_size__tile_overlayer_lowered;
	s5 =	simm.s32 $_tile_overlayer_lowered  }
0x9b: {  	s22 =	simm.s32 $0x1BFF;
	s21 =	sshll.u32 s5, $0x1;
	s2 =	sadd.s32 s19, s18  }
0x9c: {  	s6 =	simm.s32 $0x0;
	s20 =	sshll.u32 s4, $0x1;
	s4 =	sadd.s32 s21, s2  }
0x9d: {  	[timem:s6], [sflag:s22] =	dma.local [hbm:s4], s20  }
0x9e: {  	_ =	swait.ge [sflag:s22], s20  }
0x9f: {  	s3 =	ssub.s32 $0x0, s20;
	[sflag:s22] =	ssyncset.done $0x0  }
0xa0: {  	[sflag:s22] =	ssyncadd.s32 s3;
	_ =	sdelay $0x1  }
0xa1: {  	s23 =	simm.s32 $0x1B8B  }
0xa2: {  	_ =	swait.ge [sflag:s23], $0x1  }
0xa3: {  	[sflag:s23] =	ssyncset.done $0x0  }
0xa4: {  	s25 =	simm.s32 $0x1B8E;
	s24 =	sld [smem:$0x3FFE];
	[sflag:s23] =	ssyncadd.s32 $0xFFFFFFFF  }
0xa5: {  	s26 =	simm.s32 $execute0_lowered;
	[smem:$0x3FD2] =	sst s25  }
0xa6: {  	s4 =	sshll.u32 s26, $0x1;
	_ =	strace $0x80000049;
	[dreg:$0x1] =	wrdreg $0xFFFFFFFF  }
0xa7: {  	s28 =	simm.s32 $_size_execute0_lowered;
	s2 =	sadd.s32 s2, s4;
	[dreg:$0x0] =	wrdreg $0x0  }
0xa8: {  	s4 =	sshll.u32 s28, $0x1;
	[dreg:$0x2] =	wrdreg s2  }
0xa9: {  	[dreg:$0x3] =	wrdreg s4  }
0xaa: {  	[dreg:$0x4] =	wrdreg $0xC0  }
0xab: {  	_ =	task [dreg:s6], $0x5FFFF  }
0xac: {  	[dreg:$0x1] =	wrdreg $0xFFFFFFFF  }
0xad: {  	[dreg:$0x0] =	wrdreg $0x60  }
0xae: {  	[dreg:$0x2] =	wrdreg s24  }
0xaf: {  	[dreg:$0x3] =	wrdreg $0x41000  }
0xb0: {  	[dreg:$0x4] =	wrdreg $0x9  }
0xb1: {  	_ =	task.clear_ibuf [dreg:s6], $0x5FFFF;
	_ =	strace $0x90000049  }
0xb2: {  	s29 =	simm.s32 $0x9;
	_ =	strace $0x8000004B  }
0xb3: {  	_ =	swait.ge [sflag:s29], $0x1  }
0xb4: {  	[sflag:s29] =	ssyncadd.s32 $0xFFFFFFFF  }
0xb5: {  	_ =	strace $0x9000004B  }
0xb6: {  	_ =	sfence  }
0xb7: {  	s30 =	sld [smem:$0x0];
	_ =	sdelay $0x2  }
0xb8: {  	s31 =	sshll.u32 s1, $0xD;
	s1 =	sshrl.u32 s1, $0x2  }
0xb9: {  	s3 =	sand.u32 $0x4000, s31;
	s1 =	sadd.s32 s1, s30  }
0xba: {  	s0 =	sor.u32 s3, s0;
	s1 =	sshll.u32 s1, $0x11  }
0xbb: {  	s0 =	sor.u32 s1, s0  }
0xbc: {  	s0 =	sadd.s32 $0x8F2B, s0  }
0xbd: {  	[sflag:s0] =	ssyncadd.remote.s32 $0x1  }
0xbe: {  	_ =	sfence.sel $0xFFFF  }
0xbf: {  	[dreg:$0x0] =	wrdreg $0xFFFFFFFF;
	(pc) =	sbr.abs _section_cstart, $3  }
0xc0: {  	[dreg:$0x1] =	wrdreg $0xFFFFFFFF  }
0xc1: {  	_ =	task.clear_ibuf [dreg:s6], $0x2FFFF;
	_ =	strace $0x9FFFFFFF  }
0xc2: {  	(tm) =	ssettm $0x7FFFFFFF  }
0xc3: {  	_ =	shalt  }
tec
execute0_lowered:
.L_overlay_start_1:
0x0: {  	(tag) =	ssettag $0x1  }
0x1: {  	s1 =	stileid.u32  }
0x2: {  	s5 =	rddreg [dreg:$0x0];
	s8 =	smul.u32 $0x9E00, s1  }
0x3: {  	s0 =	srdreg.scid;
	s10 =	smul.u32 $0x14000, s1  }
0x4: {  	s2 =	rddreg [dreg:$0x1];
	s22 =	smul.u32 $0x50000, s1  }
0x5: {  	s3 =	simm.s32 $0x0;
	s6 =	sand.u32 $0x1, s0;
	s11 =	smul.u32 $0x2800, s1  }
0x6: {  	s13 =	simm.s32 $0x100;
	s0 =	rddreg [dreg:$0x2];
	s7 =	smul.u32 $0x9E000, s6  }
0x7: {  	s14 =	simm.s32 $0x0;
	[smem:$0x7FF] =	sst s3;
	s9 =	smul.u32 $0x140000, s6  }
0x8: {  	s4 =	sadd.s32 $0xEE00, s5;
	s23 =	smul.u32 $0x28000, s6;
	s6 =	ssub.s32 $0x2, s6  }
0x9: {  	s31 =	sshll.u32 s1, $0x6;
	_ =	strace $0x8000004A;
	s25 =	sshrl.u32 s6, $0x1  }
0xa: {  	s28 =	sshrl.u32 s22, $0x2;
	s7 =	sadd.s32 s8, s7;
	s9 =	sadd.s32 s10, s9  }
0xb: {  	s26 =	ssub.s32 s6, s25;
	s29 =	sadd.s32 s11, s23;
	s30 =	sadd.s32 s28, s2  }
0xc: {  	s6 =	sor.u32 $0x1C01, s31;
	s11 =	simm.s32 $0x1;
	s7 =	sshrl.u32 s7, $0x3  }
0xd: {  	s9 =	sshrl.u32 s9, $0x3;
	s8 =	smax.u32 s26, $0x1;
	s10 =	sshrl.u32 s30, $0x3  }
0xe: {  	s12 =	sadd.s32 s7, s5;
	s24 =	sadd.s32 s9, s5;
	s5 =	sadd.s32 s4, s29  }
0xf: {  	s7 =	sadd.s32 $0x86E00, s24;
	s9 =	sadd.s32 $0x5F600, s12;
	s12 =	simm.s32 $0x80  }
.LBB2_1:
0x10: {  	[spmem:s10], [sflag:s6] =	dma.local [hbm:s5], $0x2800  }
0x11: {  	_ =	swait.ge [sflag:s11], $0x2800  }
0x12: {  	[sflag:s11] =	ssyncset.done $0x0  }
0x13: {  	[sflag:s11] =	ssyncadd.s32 $0xFFFFD800  }
0x14: {  	s15 =	sadd.s32 $0x0, s9;
	[bflag:$0x0] =	sbarrier.arrive $0xFFFF  }
0x15: {  	[tilespmem:s3], [sflag:$0x1] =	stream.linear.gather [hbm4b:s15+s3], $0x100, $0x38;
	[tilespmem:$0x18100] =	vst v63  }
0x16: {  	_ =	swait.ge [sflag:s11], $0x100  }
0x17: {  	[sflag:s11] =	ssyncset.done $0x0  }
0x18: {  	[sflag:s11] =	ssyncadd.s32 $0xFFFFFF00  }
0x19: {  	[tilespmem:s13], [sflag:$0x1] =	stream.indirect.gather [hbm4b:s4+s12], $0x80, s3, s12, $0xb8;
	[tilespmem:$0x18100] =	vst v63  }
0x1a: {  	_ =	swait.ge [sflag:s11], $0x4000  }
0x1b: {  	[sflag:s11] =	ssyncset.done $0x0  }
0x1c: {  	[sflag:s11] =	ssyncadd.s32 $0xFFFFC000  }
0x1d: {  	[spmem:s2] =	stream.indirect.scatter.add.f32 [tilespmem:s13], [sflag:$0x1], $0x80, s12, s12, $0xb8;
	[tilespmem:$0x18100] =	vst v63  }
0x1e: {  	_ =	swait.ge [sflag:s11], $0x4000  }
0x1f: {  	s16 =	simm.s32 $0x40;
	s15 =	simm.s32 $0x20;
	[sflag:s11] =	ssyncset.done $0x0  }
.LBB2_2:
0x20: {  	s17 =	sadd.s32 s15, s9  }
0x21: {  	[sflag:s11] =	ssyncadd.s32 $0xFFFFC000;
	s15 =	smov.u32 s16;
	s18 =	sadd.s32 $0x20, s16  }
0x22: {  	[tilespmem:s3], [sflag:$0x1] =	stream.linear.gather [hbm4b:s17+s3], $0x100, $0x38;
	[tilespmem:$0x18100] =	vst v63  }
0x23: {  	p0 =	sne.s32 s16, $0x13A0;
	_ =	swait.ge [sflag:s11], $0x100  }
0x24: {  	[sflag:s11] =	ssyncset.done $0x0  }
0x25: {  	[sflag:s11] =	ssyncadd.s32 $0xFFFFFF00  }
0x26: {  	[tilespmem:s13], [sflag:$0x1] =	stream.indirect.gather [hbm4b:s4+s12], $0x80, s3, s12, $0xb8;
	[tilespmem:$0x18100] =	vst v63  }
0x27: {  	_ =	swait.ge [sflag:s11], $0x4000  }
.Ltmp0:
0x28: {  	[sflag:s11] =	ssyncset.done $0x0;
	(pc) =	sbr.rel @p0 .LBB2_2-.Ltmp0, $4  }
0x29: {  	[sflag:s11] =	ssyncadd.s32 $0xFFFFC000  }
0x2a: {  	[spmem:s2] =	stream.indirect.scatter.add.f32 [tilespmem:s13], [sflag:$0x1], $0x80, s12, s12, $0xb8;
	[tilespmem:$0x18100] =	vst v63  }
0x2b: {  	_ =	swait.ge [sflag:s11], $0x4000  }
0x2c: {  	s16 =	smov.u32 s18;
	[sflag:s11] =	ssyncset.done $0x0  }
0x2d: {  	s15 =	sadd.s32 s15, s9;
	[sflag:s11] =	ssyncadd.s32 $0xFFFFC000  }
0x2e: {  	[tilespmem:s3], [sflag:$0x1] =	stream.linear.gather [hbm4b:s15+s3], $0x100, $0x38;
	[tilespmem:$0x18100] =	vst v63  }
0x2f: {  	_ =	swait.ge [sflag:s11], $0x100  }
0x30: {  	[sflag:s11] =	ssyncset.done $0x0  }
0x31: {  	[sflag:s11] =	ssyncadd.s32 $0xFFFFFF00  }
0x32: {  	[tilespmem:s13], [sflag:$0x1] =	stream.indirect.gather [hbm4b:s4+s12], $0x80, s3, s12, $0xb8;
	[tilespmem:$0x18100] =	vst v63  }
0x33: {  	_ =	swait.ge [sflag:s11], $0x4000  }
0x34: {  	[sflag:s11] =	ssyncset.done $0x0  }
0x35: {  	[sflag:s11] =	ssyncadd.s32 $0xFFFFC000  }
0x36: {  	[spmem:s2] =	stream.indirect.scatter.add.f32 [tilespmem:s13], [sflag:$0x1], $0x80, s12, s12, $0xb8;
	[tilespmem:$0x18100] =	vst v63  }
0x37: {  	_ =	swait.ge [sflag:s11], $0x4000  }
0x38: {  	s14 =	sadd.s32 $0x1, s14;
	[sflag:s11] =	ssyncset.done $0x0  }
0x39: {  	p0 =	sne.s32 s14, s8;
	[sflag:s11] =	ssyncadd.s32 $0xFFFFC000  }
.Ltmp1:
0x3a: {  	[bflag:$0x0] =	sbarrier.arrive $0xFFFF;
	(pc) =	sbr.rel @p0 .LBB2_1-.Ltmp1, $4  }
0x3b: {  	[hbm:s7], [sflag:s6] =	dma.local [spmem:s10], $0x2800  }
0x3c: {  	_ =	swait.ge [sflag:s11], $0x2800  }
0x3d: {  	[sflag:s11] =	ssyncset.done $0x0  }
0x3e: {  	[sflag:s11] =	ssyncadd.s32 $0xFFFFD800  }
0x3f: {  	_ =	sfence.sel $0x180000  }
0x40: {  	[bflag:$0x0] =	sbarrier.arrive $0xFFFF  }
0x41: {  	p0 =	sne.s32 s1, $0x0;
	_ =	strace $0x9000004A  }
0x42: {  	s0 =	sadd.s32 @!p0 $0x100000, s0;
	[bflag:$0x2] =	sbarrier.arrive $0xFFFF  }
0x43: {  	[sflag:s0] =	ssyncadd.tile.s32 @!p0 $0x1;
	_ =	shalt  }
.Lfunc_end2:
_tile_overlayer_lowered:
.L_overlay_start_2:
0x44: {  	(tag) =	ssettag $0x2  }
0x45: {  	s0 =	rddreg [dreg:$0x0];
	s2 =	stileid.u32  }
0x46: {  	s1 =	rddreg [dreg:$0x1];
	p0 =	sne.s32 s2, $0x0  }
0x47: {  	s3 =	rddreg [dreg:$0x2];
	[bflag:$0x3] =	sbarrier.arrive $0xFFFF;
	s2 =	simm.s32 @!p0 $0x1C01  }
0x48: {  	[timem:s3], [sflag:s2] =	dma.local @!p0 [hbm:s0], s1  }
0x49: {  	s0 =	simm.s32 @!p0 $0x1  }
0x4a: {  	_ =	swait.ge @!p0 [sflag:s0], s1  }
0x4b: {  	s1 =	ssub.s32 @!p0 $0x0, s1;
	[sflag:s0] =	ssyncset.done @!p0 $0x0  }
0x4c: {  	[sflag:s0] =	ssyncadd.s32 @!p0 s1  }
0x4d: {  	[bflag:$0x3] =	sbarrier.arrive $0xFFFF  }
0x4e: {  	_ =	shalt  }

// kernel: kernel.14.cloned.1.call-start
scs
__scs_entry_jumppad:
0x0: {  	(pc) =	sbr.rel $0x88, $3  }
0x1: {  	(tag) =	ssettag $0x0;
	lr =	simm.s32 $0x1  }
0x2: {  	[smem:$0x3F9B] =	sst lr;
	_ =	strace $0xD0000000  }
0x3: {  	_ = 	snop  }
0x4: {  	_ = 	snop  }
0x5: {  	_ = 	snop  }
0x6: {  	_ = 	snop  }
0x7: {  	_ = 	snop  }
__scs_overlays_trampoline_lowered:
0x8: {  	[smem:$0x3FAA] =	sst s0  }
0x9: {  	[smem:$0x3FAB] =	sst s1  }
0xa: {  	[smem:$0x3FAC] =	sst s2  }
0xb: {  	[smem:$0x3FAD] =	sst s3  }
0xc: {  	[smem:$0x3FAE] =	sst s4  }
0xd: {  	[smem:$0x3FAF] =	sst s5  }
0xe: {  	[smem:$0x3FB0] =	sst s6  }
0xf: {  	[smem:$0x3FB1] =	sst s7  }
0x10: {  	[smem:$0x3FB2] =	sst s8  }
0x11: {  	[smem:$0x3FB3] =	sst s9;
	s0 =	simm.s32 @!p0 $0x0  }
0x12: {  	s1 =	sld [smem:$0x3F99];
	s0 =	simm.s32 @p0 $0x1  }
0x13: {  	[smem:$0x3FB4] =	sst s0;
	s0 =	simm.s32 @!p1 $0x0  }
0x14: {  	s2 =	sld [smem:$0x3F98];
	s0 =	simm.s32 @p1 $0x1  }
0x15: {  	[smem:$0x3FB5] =	sst s0;
	s0 =	simm.s32 @!p2 $0x0  }
0x16: {  	s3 =	sld [smem:$0x3FDB];
	s0 =	simm.s32 @p2 $0x1  }
0x17: {  	s4 =	simm.s32 $0x1BF5;
	[smem:$0x3FB7] =	sst s0  }
0x18: {  	s0 =	sld [smem:$0x3F9A];
	_ =	swait.ge [sflag:s4], $0x0  }
0x19: {  	s7 =	sld [smem:$0x3F9B]  }
0x1a: {  	s8 =	sadd.s32 $0xFFFFE003, lr  }
0x1b: {  	s9 =	sadd.s32 $0xFFFFFEF7, lr;
	s5 =	simm.s32 $0xFFFFFFFF;
	p2 =	slt.u32 s8, $0xFFFFF086  }
0x1c: {  	p1 =	slt.u32 s9, $0xF7A;
	s5 =	simm.s32 @!p2 $0x0  }
0x1d: {  	s5 =	simm.s32 @p1 $0x1;
	p0 =	seq.s32 s7, s2  }
0x1e: {  	s7 =	smul.u32 @!p0 $0xF7A, s2;
	p2 =	seq.s32 @!p0 s5, $0x0  }
0x1f: {  	s9 =	smul.u32 $0xF7A, s1;
	s8 =	simm.s32 @!p0 $0x1BF5;
	p2 =	por !p2, p0  }
0x20: {  	[sflag:s8] =	ssyncset.s32 @!p0 $0xFFFFF086;
	s6 =	sadd.s32 @!p0 s3, s7;
	s7 =	simm.s32 @!p0 $0x108  }
0x21: {  	s3 =	sadd.s32 s3, s9;
	s6 =	sadd.s32 @!p0 $0x88, s6;
	s7 =	simm.s32 @p2 $0x1082  }
0x22: {  	[simem:s7], [sflag:s8] =	dma.local @!p0 [hbm:s6], $0xF7A  }
0x23: {  	s9 =	sor.u32 $0xD0000000, s2;
	s6 =	simm.s32 $0x108;
	_ =	swait.ge @!p0 [sflag:s8], $0x0  }
0x24: {  	s3 =	sadd.s32 $0x88, s3;
	s6 =	simm.s32 @!p1 $0x1082;
	[sflag:s4] =	ssyncset.s32 $0xFFFFF086  }
0x25: {  	[simem:s6], [sflag:s4] =	dma.local [hbm:s3], $0xF7A  }
0x26: {  	[smem:$0x3F9B] =	sst s1;
	(tag) =	ssettag s2;
	_ =	strace s9  }
0x27: {  	s1 =	sld [smem:$0x3FAB]  }
0x28: {  	s2 =	sld [smem:$0x3FAC]  }
0x29: {  	s4 =	sld [smem:$0x3FAE]  }
0x2a: {  	p0 =	seq.s32 s5, $0x0;
	s5 =	sld [smem:$0x3FAF]  }
0x2b: {  	s6 =	sld [smem:$0x3FB0]  }
0x2c: {  	s7 =	sld [smem:$0x3FB1]  }
0x2d: {  	s3 =	simm.s32 $0x108;
	s8 =	sld [smem:$0x3FB2]  }
0x2e: {  	s3 =	simm.s32 @!p0 $0x1082;
	s9 =	sld [smem:$0x3FB3]  }
0x2f: {  	lr =	sadd.s32 s0, s3;
	s0 =	sld [smem:$0x3FAA]  }
0x30: {  	s3 =	sld [smem:$0x3FAD]  }
0x31: {  	[smem:$0x3FB6] =	sst s10  }
0x32: {  	s10 =	sld [smem:$0x3FB4];
	_ =	sdelay $0x3  }
0x33: {  	p0 =	seq.s32 s10, $0x1;
	s10 =	sld [smem:$0x3FB6];
	_ =	sdelay $0x3  }
0x34: {  	[smem:$0x3FB6] =	sst s10  }
0x35: {  	s10 =	sld [smem:$0x3FB5];
	_ =	sdelay $0x3  }
0x36: {  	p1 =	seq.s32 s10, $0x1;
	s10 =	sld [smem:$0x3FB6];
	_ =	sdelay $0x3  }
0x37: {  	[smem:$0x3FB6] =	sst s10  }
0x38: {  	s10 =	sld [smem:$0x3FB7]  }
0x39: {  	_ = 	snop;
	(pc) =	sbr.ind lr, $3  }
0x3a: {  	_ = 	snop  }
0x3b: {  	_ = 	snop  }
0x3c: {  	p2 =	seq.s32 s10, $0x1;
	s10 =	sld [smem:$0x3FB6]  }
0x3d: {  	_ =	shalt  }
0x3e: {  	_ =	shalt  }
0x3f: {  	_ =	shalt  }
0x40: {  	_ =	shalt  }
0x41: {  	_ =	shalt  }
0x42: {  	_ =	shalt  }
0x43: {  	_ =	shalt  }
0x44: {  	_ =	shalt  }
0x45: {  	_ =	shalt  }
0x46: {  	_ =	shalt  }
0x47: {  	_ =	shalt  }
0x48: {  	_ =	shalt  }
0x49: {  	_ =	shalt  }
0x4a: {  	_ =	shalt  }
0x4b: {  	_ =	shalt  }
0x4c: {  	_ =	shalt  }
0x4d: {  	_ =	shalt  }
0x4e: {  	_ =	shalt  }
0x4f: {  	_ =	shalt  }
0x50: {  	_ =	shalt  }
0x51: {  	_ =	shalt  }
0x52: {  	_ =	shalt  }
0x53: {  	_ =	shalt  }
0x54: {  	_ =	shalt  }
0x55: {  	_ =	shalt  }
0x56: {  	_ =	shalt  }
0x57: {  	_ =	shalt  }
0x58: {  	_ =	shalt  }
0x59: {  	_ =	shalt  }
0x5a: {  	_ =	shalt  }
0x5b: {  	_ =	shalt  }
0x5c: {  	_ =	shalt  }
0x5d: {  	_ =	shalt  }
0x5e: {  	_ =	shalt  }
0x5f: {  	_ =	shalt  }
0x60: {  	_ =	shalt  }
0x61: {  	_ =	shalt  }
0x62: {  	_ =	shalt  }
0x63: {  	_ =	shalt  }
0x64: {  	_ =	shalt  }
0x65: {  	_ =	shalt  }
0x66: {  	_ =	shalt  }
0x67: {  	_ =	shalt  }
0x68: {  	_ =	shalt  }
0x69: {  	_ =	shalt  }
0x6a: {  	_ =	shalt  }
0x6b: {  	_ =	shalt  }
0x6c: {  	_ =	shalt  }
0x6d: {  	_ =	shalt  }
0x6e: {  	_ =	shalt  }
0x6f: {  	_ =	shalt  }
0x70: {  	_ =	shalt  }
0x71: {  	_ =	shalt  }
0x72: {  	_ =	shalt  }
0x73: {  	_ =	shalt  }
0x74: {  	_ =	shalt  }
0x75: {  	_ =	shalt  }
0x76: {  	_ =	shalt  }
0x77: {  	_ =	shalt  }
0x78: {  	_ =	shalt  }
0x79: {  	_ =	shalt  }
0x7a: {  	_ =	shalt  }
0x7b: {  	_ =	shalt  }
0x7c: {  	_ =	shalt  }
0x7d: {  	_ =	shalt  }
0x7e: {  	_ =	shalt  }
0x7f: {  	_ =	shalt  }
0x80: {  	_ =	shalt  }
0x81: {  	_ =	shalt  }
0x82: {  	_ =	shalt  }
0x83: {  	_ =	shalt  }
0x84: {  	_ =	shalt  }
0x85: {  	_ =	shalt  }
0x86: {  	_ =	shalt  }
0x87: {  	_ =	shalt  }
.Lfunc_end0:
.L_simem_size_0:
called_computation.2_lowered:
.L_overlay_start_0:
0x88: {  	s2 =	sld [smem:$0x3FD9]  }
0x89: {  	s3 =	sld [smem:$0x3FFE];
	_ =	sdelay $0x1  }
0x8a: {  	s1 =	srdreg.scid  }
0x8b: {  	s0 =	sand.u32 $0x1, s1  }
0x8c: {  	s17 =	sshll.u32 s0, $0xA;
	s2 =	sadd.s32 s3, s2  }
0x8d: {  	s2 =	sadd.s32 s2, s17  }
0x8e: {  	[smem:$0x3FC2] =	sst s2  }
0x8f: {  	_ = 	snop  }
0x90: {  	s2 =	sld [smem:$0x3FD0];
	(tm) =	ssettm $0x1  }
0x91: {  	s18 =	sld [smem:$0x3FFB];
	_ =	sdelay $0x3  }
0x92: {  	_ =	strace s18  }
0x93: {  	s3 =	sld [smem:$0x3FFC];
	_ =	sdelay $0x3  }
0x94: {  	_ =	strace s3  }
0x95: {  	s3 =	sld [smem:$0x3FFD];
	_ =	sdelay $0x3  }
0x96: {  	_ =	strace s3  }
0x97: {  	_ =	strace $0x8FFFFFFF  }
0x98: {  	s19 =	sld [smem:$0x3FDB];
	_ =	sdelay $0x1  }
0x99: {  	s4 =	simm.s32 $_scs_section_size  }
0x9a: {  	s5 =	simm.s32 $_size__tile_overlayer_lowered;
	s6 =	simm.s32 $_tile_overlayer_lowered  }
0x9b: {  	s22 =	simm.s32 $0x1BFF;
	s21 =	sshll.u32 s6, $0x1;
	s3 =	sadd.s32 s4, s19  }
0x9c: {  	s7 =	simm.s32 $0x0;
	s20 =	sshll.u32 s5, $0x1;
	s5 =	sadd.s32 s21, s3  }
0x9d: {  	[timem:s7], [sflag:s22] =	dma.local [hbm:s5], s20  }
0x9e: {  	_ =	swait.ge [sflag:s22], s20  }
0x9f: {  	s4 =	ssub.s32 $0x0, s20;
	[sflag:s22] =	ssyncset.done $0x0  }
0xa0: {  	[sflag:s22] =	ssyncadd.s32 s4;
	_ =	sdelay $0x1  }
0xa1: {  	s23 =	simm.s32 $0x1B8B  }
0xa2: {  	_ =	swait.ge [sflag:s23], $0x1  }
0xa3: {  	[sflag:s23] =	ssyncset.done $0x0  }
0xa4: {  	s25 =	simm.s32 $0x1B8E;
	s24 =	sld [smem:$0x3FFE];
	[sflag:s23] =	ssyncadd.s32 $0xFFFFFFFF  }
0xa5: {  	s26 =	simm.s32 $execute0_lowered;
	[smem:$0x3FD2] =	sst s25  }
0xa6: {  	s5 =	sshll.u32 s26, $0x1;
	_ =	strace $0x8000004C;
	[dreg:$0x1] =	wrdreg $0xFFFFFFFF  }
0xa7: {  	s28 =	simm.s32 $_size_execute0_lowered;
	s3 =	sadd.s32 s3, s5;
	[dreg:$0x0] =	wrdreg $0x0  }
0xa8: {  	s5 =	sshll.u32 s28, $0x1;
	[dreg:$0x2] =	wrdreg s3  }
0xa9: {  	[dreg:$0x3] =	wrdreg s5  }
0xaa: {  	[dreg:$0x4] =	wrdreg $0xC0  }
0xab: {  	_ =	task [dreg:s7], $0x5FFFF  }
0xac: {  	[dreg:$0x1] =	wrdreg $0xFFFFFFFF  }
0xad: {  	[dreg:$0x0] =	wrdreg $0x60  }
0xae: {  	[dreg:$0x2] =	wrdreg s24  }
0xaf: {  	[dreg:$0x3] =	wrdreg s2  }
0xb0: {  	[dreg:$0x4] =	wrdreg $0x41000  }
0xb1: {  	[dreg:$0x5] =	wrdreg $0x9  }
0xb2: {  	_ =	task.clear_ibuf [dreg:s7], $0x6FFFF;
	_ =	strace $0x9000004C  }
0xb3: {  	s29 =	simm.s32 $0x9;
	_ =	strace $0x8000004E  }
0xb4: {  	_ =	swait.ge [sflag:s29], $0x1  }
0xb5: {  	[sflag:s29] =	ssyncadd.s32 $0xFFFFFFFF  }
0xb6: {  	_ =	strace $0x9000004E  }
0xb7: {  	_ =	sfence  }
0xb8: {  	s30 =	sld [smem:$0x0];
	_ =	sdelay $0x2  }
0xb9: {  	s31 =	sshll.u32 s1, $0xD;
	s1 =	sshrl.u32 s1, $0x2  }
0xba: {  	s3 =	sand.u32 $0x4000, s31;
	s1 =	sadd.s32 s1, s30  }
0xbb: {  	s0 =	sor.u32 s3, s0;
	s1 =	sshll.u32 s1, $0x11  }
0xbc: {  	s0 =	sor.u32 s1, s0  }
0xbd: {  	s0 =	sadd.s32 $0x8F2B, s0  }
0xbe: {  	[sflag:s0] =	ssyncadd.remote.s32 $0x1  }
0xbf: {  	_ =	sfence.sel $0xFFFF  }
0xc0: {  	[dreg:$0x0] =	wrdreg $0xFFFFFFFF;
	(pc) =	sbr.abs _section_cstart, $3  }
0xc1: {  	[dreg:$0x1] =	wrdreg $0xFFFFFFFF  }
0xc2: {  	_ =	task.clear_ibuf [dreg:s7], $0x2FFFF;
	_ =	strace $0x9FFFFFFF  }
0xc3: {  	(tm) =	ssettm $0x7FFFFFFF  }
tec
execute0_lowered:
.L_overlay_start_1:
0x0: {  	(tag) =	ssettag $0x1  }
0x1: {  	s6 =	rddreg [dreg:$0x0]  }
0x2: {  	s9 =	rddreg [dreg:$0x1]  }
0x3: {  	s1 =	rddreg [dreg:$0x2];
	s2 =	srdreg.scid  }
0x4: {  	s0 =	rddreg [dreg:$0x3];
	s7 =	sand.u32 $0x1, s2  }
0x5: {  	s3 =	simm.s32 $0x0;
	s2 =	stileid.u32;
	s5 =	smul.u32 $0x140000, s7  }
0x6: {  	s14 =	simm.s32 $0x0;
	[smem:$0x7FF] =	sst s3;
	s8 =	smul.u32 $0x14000, s2  }
0x7: {  	s4 =	sadd.s32 $0xEE00, s6;
	_ =	strace $0x8000004D;
	s12 =	smul.u32 $0x50000, s2  }
0x8: {  	s26 =	ssub.s32 $0x2, s7;
	s29 =	sshll.u32 s2, $0x6;
	s30 =	smul.u32 $0x9E00, s7  }
0x9: {  	s31 =	smul.u32 $0x9E0, s2;
	s11 =	sshrl.u32 s26, $0x1;
	s5 =	sadd.s32 s8, s5  }
0xa: {  	s8 =	ssub.s32 s26, s11;
	s28 =	sshrl.u32 s12, $0x2;
	s9 =	sadd.s32 s30, s9  }
0xb: {  	s11 =	simm.s32 $0x1;
	s12 =	simm.s32 $0x80;
	s10 =	sshrl.u32 s5, $0x3  }
0xc: {  	s5 =	sadd.s32 $0xC600, s6;
	s13 =	sadd.s32 s28, s1;
	s8 =	smax.u32 s8, $0x1  }
0xd: {  	s9 =	sadd.s32 s31, s9;
	s10 =	sadd.s32 s10, s6;
	s6 =	sor.u32 $0x1C01, s29  }
0xe: {  	s7 =	sadd.s32 $0x36E00, s10;
	s10 =	sshrl.u32 s13, $0x3;
	s13 =	simm.s32 $0x100  }
.LBB2_1:
0xf: {  	[spmem:s10], [sflag:s6] =	dma.local [hbm:s5], $0x2800  }
0x10: {  	_ =	swait.ge [sflag:s11], $0x2800  }
0x11: {  	[sflag:s11] =	ssyncset.done $0x0  }
0x12: {  	[sflag:s11] =	ssyncadd.s32 $0xFFFFD800  }
0x13: {  	s15 =	sadd.s32 $0x0, s9;
	[bflag:$0x0] =	sbarrier.arrive $0xFFFF  }
0x14: {  	[tilespmem:s3], [sflag:$0x1] =	stream.linear.gather [hbm4b:s15+s3], $0x100, $0x38;
	[tilespmem:$0x18100] =	vst v63  }
0x15: {  	_ =	swait.ge [sflag:s11], $0x100  }
0x16: {  	[sflag:s11] =	ssyncset.done $0x0  }
0x17: {  	[sflag:s11] =	ssyncadd.s32 $0xFFFFFF00  }
0x18: {  	[tilespmem:s13], [sflag:$0x1] =	stream.indirect.gather [hbm4b:s4+s12], $0x80, s3, s12, $0xb8;
	[tilespmem:$0x18100] =	vst v63  }
0x19: {  	_ =	swait.ge [sflag:s11], $0x4000  }
0x1a: {  	[sflag:s11] =	ssyncset.done $0x0  }
0x1b: {  	[sflag:s11] =	ssyncadd.s32 $0xFFFFC000  }
0x1c: {  	[spmem:s1] =	stream.indirect.scatter.add.f32 [tilespmem:s13], [sflag:$0x1], $0x80, s12, s12, $0xb8;
	[tilespmem:$0x18100] =	vst v63  }
0x1d: {  	_ =	swait.ge [sflag:s11], $0x4000  }
0x1e: {  	s16 =	simm.s32 $0x40;
	s15 =	simm.s32 $0x20;
	[sflag:s11] =	ssyncset.done $0x0  }
.LBB2_2:
0x1f: {  	s17 =	sadd.s32 s15, s9  }
0x20: {  	[sflag:s11] =	ssyncadd.s32 $0xFFFFC000;
	s15 =	smov.u32 s16;
	s18 =	sadd.s32 $0x20, s16  }
0x21: {  	[tilespmem:s3], [sflag:$0x1] =	stream.linear.gather [hbm4b:s17+s3], $0x100, $0x38;
	[tilespmem:$0x18100] =	vst v63  }
0x22: {  	p0 =	sne.s32 s16, $0x9C0;
	_ =	swait.ge [sflag:s11], $0x100  }
0x23: {  	[sflag:s11] =	ssyncset.done $0x0  }
0x24: {  	[sflag:s11] =	ssyncadd.s32 $0xFFFFFF00  }
0x25: {  	[tilespmem:s13], [sflag:$0x1] =	stream.indirect.gather [hbm4b:s4+s12], $0x80, s3, s12, $0xb8;
	[tilespmem:$0x18100] =	vst v63  }
0x26: {  	_ =	swait.ge [sflag:s11], $0x4000  }
.Ltmp0:
0x27: {  	[sflag:s11] =	ssyncset.done $0x0;
	(pc) =	sbr.rel @p0 .LBB2_2-.Ltmp0, $4  }
0x28: {  	[sflag:s11] =	ssyncadd.s32 $0xFFFFC000  }
0x29: {  	[spmem:s1] =	stream.indirect.scatter.add.f32 [tilespmem:s13], [sflag:$0x1], $0x80, s12, s12, $0xb8;
	[tilespmem:$0x18100] =	vst v63  }
0x2a: {  	_ =	swait.ge [sflag:s11], $0x4000  }
0x2b: {  	s16 =	smov.u32 s18;
	[sflag:s11] =	ssyncset.done $0x0  }
0x2c: {  	s15 =	sadd.s32 s15, s9;
	[sflag:s11] =	ssyncadd.s32 $0xFFFFC000  }
0x2d: {  	[tilespmem:s3], [sflag:$0x1] =	stream.linear.gather [hbm4b:s15+s3], $0x100, $0x38;
	[tilespmem:$0x18100] =	vst v63  }
0x2e: {  	_ =	swait.ge [sflag:s11], $0x100  }
0x2f: {  	[sflag:s11] =	ssyncset.done $0x0  }
0x30: {  	[sflag:s11] =	ssyncadd.s32 $0xFFFFFF00  }
0x31: {  	[tilespmem:s13], [sflag:$0x1] =	stream.indirect.gather [hbm4b:s4+s12], $0x80, s3, s12, $0xb8;
	[tilespmem:$0x18100] =	vst v63  }
0x32: {  	_ =	swait.ge [sflag:s11], $0x4000  }
0x33: {  	[sflag:s11] =	ssyncset.done $0x0  }
0x34: {  	[sflag:s11] =	ssyncadd.s32 $0xFFFFC000  }
0x35: {  	[spmem:s1] =	stream.indirect.scatter.add.f32 [tilespmem:s13], [sflag:$0x1], $0x80, s12, s12, $0xb8;
	[tilespmem:$0x18100] =	vst v63  }
0x36: {  	_ =	swait.ge [sflag:s11], $0x4000  }
0x37: {  	s14 =	sadd.s32 $0x1, s14;
	[sflag:s11] =	ssyncset.done $0x0  }
0x38: {  	p0 =	sne.s32 s14, s8;
	[sflag:s11] =	ssyncadd.s32 $0xFFFFC000  }
.Ltmp1:
0x39: {  	[bflag:$0x0] =	sbarrier.arrive $0xFFFF;
	(pc) =	sbr.rel @p0 .LBB2_1-.Ltmp1, $4  }
0x3a: {  	[hbm:s7], [sflag:s6] =	dma.local [spmem:s10], $0x2800  }
0x3b: {  	_ =	swait.ge [sflag:s11], $0x2800  }
0x3c: {  	[sflag:s11] =	ssyncset.done $0x0  }
0x3d: {  	[sflag:s11] =	ssyncadd.s32 $0xFFFFD800  }
0x3e: {  	_ =	sfence.sel $0x180000  }
0x3f: {  	[bflag:$0x0] =	sbarrier.arrive $0xFFFF  }
0x40: {  	p0 =	sne.s32 s2, $0x0;
	_ =	strace $0x9000004D  }
0x41: {  	s0 =	sadd.s32 @!p0 $0x100000, s0;
	[bflag:$0x2] =	sbarrier.arrive $0xFFFF  }
0x42: {  	[sflag:s0] =	ssyncadd.tile.s32 @!p0 $0x1;
	_ =	shalt  }
.Lfunc_end2:
_tile_overlayer_lowered:
.L_overlay_start_2:
0x43: {  	(tag) =	ssettag $0x2  }
0x44: {  	s0 =	rddreg [dreg:$0x0];
	s2 =	stileid.u32  }
0x45: {  	s1 =	rddreg [dreg:$0x1];
	p0 =	sne.s32 s2, $0x0  }
0x46: {  	s3 =	rddreg [dreg:$0x2];
	[bflag:$0x3] =	sbarrier.arrive $0xFFFF;
	s2 =	simm.s32 @!p0 $0x1C01  }
0x47: {  	[timem:s3], [sflag:s2] =	dma.local @!p0 [hbm:s0], s1  }
0x48: {  	s0 =	simm.s32 @!p0 $0x1  }
0x49: {  	_ =	swait.ge @!p0 [sflag:s0], s1  }
0x4a: {  	s1 =	ssub.s32 @!p0 $0x0, s1;
	[sflag:s0] =	ssyncset.done @!p0 $0x0  }
0x4b: {  	[sflag:s0] =	ssyncadd.s32 @!p0 s1  }
0x4c: {  	[bflag:$0x3] =	sbarrier.arrive $0xFFFF  }
0x4d: {  	_ =	shalt  }

// kernel: kernel.8.cloned.1.call-start
scs
__scs_entry_jumppad:
0x0: {  	(pc) =	sbr.rel $0x88, $3  }
0x1: {  	(tag) =	ssettag $0x0;
	lr =	simm.s32 $0x1  }
0x2: {  	[smem:$0x3F9B] =	sst lr;
	_ =	strace $0xD0000000  }
0x3: {  	_ = 	snop  }
0x4: {  	_ = 	snop  }
0x5: {  	_ = 	snop  }
0x6: {  	_ = 	snop  }
0x7: {  	_ = 	snop  }
__scs_overlays_trampoline_lowered:
0x8: {  	[smem:$0x3FAA] =	sst s0  }
0x9: {  	[smem:$0x3FAB] =	sst s1  }
0xa: {  	[smem:$0x3FAC] =	sst s2  }
0xb: {  	[smem:$0x3FAD] =	sst s3  }
0xc: {  	[smem:$0x3FAE] =	sst s4  }
0xd: {  	[smem:$0x3FAF] =	sst s5  }
0xe: {  	[smem:$0x3FB0] =	sst s6  }
0xf: {  	[smem:$0x3FB1] =	sst s7  }
0x10: {  	[smem:$0x3FB2] =	sst s8  }
0x11: {  	[smem:$0x3FB3] =	sst s9;
	s0 =	simm.s32 @!p0 $0x0  }
0x12: {  	s1 =	sld [smem:$0x3F99];
	s0 =	simm.s32 @p0 $0x1  }
0x13: {  	[smem:$0x3FB4] =	sst s0;
	s0 =	simm.s32 @!p1 $0x0  }
0x14: {  	s2 =	sld [smem:$0x3F98];
	s0 =	simm.s32 @p1 $0x1  }
0x15: {  	[smem:$0x3FB5] =	sst s0;
	s0 =	simm.s32 @!p2 $0x0  }
0x16: {  	s3 =	sld [smem:$0x3FDB];
	s0 =	simm.s32 @p2 $0x1  }
0x17: {  	s4 =	simm.s32 $0x1BF5;
	[smem:$0x3FB7] =	sst s0  }
0x18: {  	s0 =	sld [smem:$0x3F9A];
	_ =	swait.ge [sflag:s4], $0x0  }
0x19: {  	s7 =	sld [smem:$0x3F9B]  }
0x1a: {  	s8 =	sadd.s32 $0xFFFFE003, lr  }
0x1b: {  	s9 =	sadd.s32 $0xFFFFFEF7, lr;
	s5 =	simm.s32 $0xFFFFFFFF;
	p2 =	slt.u32 s8, $0xFFFFF086  }
0x1c: {  	p1 =	slt.u32 s9, $0xF7A;
	s5 =	simm.s32 @!p2 $0x0  }
0x1d: {  	s5 =	simm.s32 @p1 $0x1;
	p0 =	seq.s32 s7, s2  }
0x1e: {  	s7 =	smul.u32 @!p0 $0xF7A, s2;
	p2 =	seq.s32 @!p0 s5, $0x0  }
0x1f: {  	s9 =	smul.u32 $0xF7A, s1;
	s8 =	simm.s32 @!p0 $0x1BF5;
	p2 =	por !p2, p0  }
0x20: {  	[sflag:s8] =	ssyncset.s32 @!p0 $0xFFFFF086;
	s6 =	sadd.s32 @!p0 s3, s7;
	s7 =	simm.s32 @!p0 $0x108  }
0x21: {  	s3 =	sadd.s32 s3, s9;
	s6 =	sadd.s32 @!p0 $0x88, s6;
	s7 =	simm.s32 @p2 $0x1082  }
0x22: {  	[simem:s7], [sflag:s8] =	dma.local @!p0 [hbm:s6], $0xF7A  }
0x23: {  	s9 =	sor.u32 $0xD0000000, s2;
	s6 =	simm.s32 $0x108;
	_ =	swait.ge @!p0 [sflag:s8], $0x0  }
0x24: {  	s3 =	sadd.s32 $0x88, s3;
	s6 =	simm.s32 @!p1 $0x1082;
	[sflag:s4] =	ssyncset.s32 $0xFFFFF086  }
0x25: {  	[simem:s6], [sflag:s4] =	dma.local [hbm:s3], $0xF7A  }
0x26: {  	[smem:$0x3F9B] =	sst s1;
	(tag) =	ssettag s2;
	_ =	strace s9  }
0x27: {  	s1 =	sld [smem:$0x3FAB]  }
0x28: {  	s2 =	sld [smem:$0x3FAC]  }
0x29: {  	s4 =	sld [smem:$0x3FAE]  }
0x2a: {  	p0 =	seq.s32 s5, $0x0;
	s5 =	sld [smem:$0x3FAF]  }
0x2b: {  	s6 =	sld [smem:$0x3FB0]  }
0x2c: {  	s7 =	sld [smem:$0x3FB1]  }
0x2d: {  	s3 =	simm.s32 $0x108;
	s8 =	sld [smem:$0x3FB2]  }
0x2e: {  	s3 =	simm.s32 @!p0 $0x1082;
	s9 =	sld [smem:$0x3FB3]  }
0x2f: {  	lr =	sadd.s32 s0, s3;
	s0 =	sld [smem:$0x3FAA]  }
0x30: {  	s3 =	sld [smem:$0x3FAD]  }
0x31: {  	[smem:$0x3FB6] =	sst s10  }
0x32: {  	s10 =	sld [smem:$0x3FB4];
	_ =	sdelay $0x3  }
0x33: {  	p0 =	seq.s32 s10, $0x1;
	s10 =	sld [smem:$0x3FB6];
	_ =	sdelay $0x3  }
0x34: {  	[smem:$0x3FB6] =	sst s10  }
0x35: {  	s10 =	sld [smem:$0x3FB5];
	_ =	sdelay $0x3  }
0x36: {  	p1 =	seq.s32 s10, $0x1;
	s10 =	sld [smem:$0x3FB6];
	_ =	sdelay $0x3  }
0x37: {  	[smem:$0x3FB6] =	sst s10  }
0x38: {  	s10 =	sld [smem:$0x3FB7]  }
0x39: {  	_ = 	snop;
	(pc) =	sbr.ind lr, $3  }
0x3a: {  	_ = 	snop  }
0x3b: {  	_ = 	snop  }
0x3c: {  	p2 =	seq.s32 s10, $0x1;
	s10 =	sld [smem:$0x3FB6]  }
0x3d: {  	_ =	shalt  }
0x3e: {  	_ =	shalt  }
0x3f: {  	_ =	shalt  }
0x40: {  	_ =	shalt  }
0x41: {  	_ =	shalt  }
0x42: {  	_ =	shalt  }
0x43: {  	_ =	shalt  }
0x44: {  	_ =	shalt  }
0x45: {  	_ =	shalt  }
0x46: {  	_ =	shalt  }
0x47: {  	_ =	shalt  }
0x48: {  	_ =	shalt  }
0x49: {  	_ =	shalt  }
0x4a: {  	_ =	shalt  }
0x4b: {  	_ =	shalt  }
0x4c: {  	_ =	shalt  }
0x4d: {  	_ =	shalt  }
0x4e: {  	_ =	shalt  }
0x4f: {  	_ =	shalt  }
0x50: {  	_ =	shalt  }
0x51: {  	_ =	shalt  }
0x52: {  	_ =	shalt  }
0x53: {  	_ =	shalt  }
0x54: {  	_ =	shalt  }
0x55: {  	_ =	shalt  }
0x56: {  	_ =	shalt  }
0x57: {  	_ =	shalt  }
0x58: {  	_ =	shalt  }
0x59: {  	_ =	shalt  }
0x5a: {  	_ =	shalt  }
0x5b: {  	_ =	shalt  }
0x5c: {  	_ =	shalt  }
0x5d: {  	_ =	shalt  }
0x5e: {  	_ =	shalt  }
0x5f: {  	_ =	shalt  }
0x60: {  	_ =	shalt  }
0x61: {  	_ =	shalt  }
0x62: {  	_ =	shalt  }
0x63: {  	_ =	shalt  }
0x64: {  	_ =	shalt  }
0x65: {  	_ =	shalt  }
0x66: {  	_ =	shalt  }
0x67: {  	_ =	shalt  }
0x68: {  	_ =	shalt  }
0x69: {  	_ =	shalt  }
0x6a: {  	_ =	shalt  }
0x6b: {  	_ =	shalt  }
0x6c: {  	_ =	shalt  }
0x6d: {  	_ =	shalt  }
0x6e: {  	_ =	shalt  }
0x6f: {  	_ =	shalt  }
0x70: {  	_ =	shalt  }
0x71: {  	_ =	shalt  }
0x72: {  	_ =	shalt  }
0x73: {  	_ =	shalt  }
0x74: {  	_ =	shalt  }
0x75: {  	_ =	shalt  }
0x76: {  	_ =	shalt  }
0x77: {  	_ =	shalt  }
0x78: {  	_ =	shalt  }
0x79: {  	_ =	shalt  }
0x7a: {  	_ =	shalt  }
0x7b: {  	_ =	shalt  }
0x7c: {  	_ =	shalt  }
0x7d: {  	_ =	shalt  }
0x7e: {  	_ =	shalt  }
0x7f: {  	_ =	shalt  }
0x80: {  	_ =	shalt  }
0x81: {  	_ =	shalt  }
0x82: {  	_ =	shalt  }
0x83: {  	_ =	shalt  }
0x84: {  	_ =	shalt  }
0x85: {  	_ =	shalt  }
0x86: {  	_ =	shalt  }
0x87: {  	_ =	shalt  }
.Lfunc_end0:
.L_simem_size_0:
called_computation_lowered:
.L_overlay_start_0:
0x88: {  	s2 =	sld [smem:$0x3FD9]  }
0x89: {  	s3 =	sld [smem:$0x3FFE];
	_ =	sdelay $0x1  }
0x8a: {  	s1 =	srdreg.scid  }
0x8b: {  	s0 =	sand.u32 $0x1, s1  }
0x8c: {  	s16 =	sshll.u32 s0, $0xA;
	s2 =	sadd.s32 s3, s2  }
0x8d: {  	s2 =	sadd.s32 s2, s16  }
0x8e: {  	[smem:$0x3FC2] =	sst s2  }
0x8f: {  	_ = 	snop  }
0x90: {  	(tm) =	ssettm $0x1  }
0x91: {  	s17 =	sld [smem:$0x3FFB];
	_ =	sdelay $0x3  }
0x92: {  	_ =	strace s17  }
0x93: {  	s2 =	sld [smem:$0x3FFC];
	_ =	sdelay $0x3  }
0x94: {  	_ =	strace s2  }
0x95: {  	s2 =	sld [smem:$0x3FFD];
	_ =	sdelay $0x3  }
0x96: {  	_ =	strace s2  }
0x97: {  	_ =	strace $0x8FFFFFFF  }
0x98: {  	s18 =	sld [smem:$0x3FDB];
	_ =	sdelay $0x1  }
0x99: {  	s19 =	simm.s32 $_scs_section_size  }
0x9a: {  	s4 =	simm.s32 $_size__tile_overlayer_lowered;
	s5 =	simm.s32 $_tile_overlayer_lowered  }
0x9b: {  	s22 =	simm.s32 $0x1BFF;
	s21 =	sshll.u32 s5, $0x1;
	s2 =	sadd.s32 s19, s18  }
0x9c: {  	s6 =	simm.s32 $0x0;
	s20 =	sshll.u32 s4, $0x1;
	s4 =	sadd.s32 s21, s2  }
0x9d: {  	[timem:s6], [sflag:s22] =	dma.local [hbm:s4], s20  }
0x9e: {  	_ =	swait.ge [sflag:s22], s20  }
0x9f: {  	s3 =	ssub.s32 $0x0, s20;
	[sflag:s22] =	ssyncset.done $0x0  }
0xa0: {  	[sflag:s22] =	ssyncadd.s32 s3;
	_ =	sdelay $0x1  }
0xa1: {  	s23 =	simm.s32 $0x1B8B  }
0xa2: {  	_ =	swait.ge [sflag:s23], $0x1  }
0xa3: {  	[sflag:s23] =	ssyncset.done $0x0  }
0xa4: {  	s25 =	simm.s32 $0x1B8E;
	s24 =	sld [smem:$0x3FFE];
	[sflag:s23] =	ssyncadd.s32 $0xFFFFFFFF  }
0xa5: {  	s26 =	simm.s32 $execute0_lowered;
	[smem:$0x3FD2] =	sst s25  }
0xa6: {  	s4 =	sshll.u32 s26, $0x1;
	_ =	strace $0x80000046;
	[dreg:$0x1] =	wrdreg $0xFFFFFFFF  }
0xa7: {  	s28 =	simm.s32 $_size_execute0_lowered;
	s2 =	sadd.s32 s2, s4;
	[dreg:$0x0] =	wrdreg $0x0  }
0xa8: {  	s4 =	sshll.u32 s28, $0x1;
	[dreg:$0x2] =	wrdreg s2  }
0xa9: {  	[dreg:$0x3] =	wrdreg s4  }
0xaa: {  	[dreg:$0x4] =	wrdreg $0xC0  }
0xab: {  	_ =	task [dreg:s6], $0x5FFFF  }
0xac: {  	[dreg:$0x1] =	wrdreg $0xFFFFFFFF  }
0xad: {  	[dreg:$0x0] =	wrdreg $0x60  }
0xae: {  	[dreg:$0x2] =	wrdreg s24  }
0xaf: {  	[dreg:$0x3] =	wrdreg $0x40800  }
0xb0: {  	[dreg:$0x4] =	wrdreg $0x9  }
0xb1: {  	_ =	task.clear_ibuf [dreg:s6], $0x5FFFF;
	_ =	strace $0x90000046  }
0xb2: {  	s29 =	simm.s32 $0x9;
	_ =	strace $0x80000048  }
0xb3: {  	_ =	swait.ge [sflag:s29], $0x1  }
0xb4: {  	[sflag:s29] =	ssyncadd.s32 $0xFFFFFFFF  }
0xb5: {  	_ =	strace $0x90000048  }
0xb6: {  	_ =	sfence  }
0xb7: {  	s30 =	sld [smem:$0x0];
	_ =	sdelay $0x2  }
0xb8: {  	s31 =	sshll.u32 s1, $0xD;
	s1 =	sshrl.u32 s1, $0x2  }
0xb9: {  	s3 =	sand.u32 $0x4000, s31;
	s1 =	sadd.s32 s1, s30  }
0xba: {  	s0 =	sor.u32 s3, s0;
	s1 =	sshll.u32 s1, $0x11  }
0xbb: {  	s0 =	sor.u32 s1, s0  }
0xbc: {  	s0 =	sadd.s32 $0x8F2B, s0  }
0xbd: {  	[sflag:s0] =	ssyncadd.remote.s32 $0x1  }
0xbe: {  	_ =	sfence.sel $0xFFFF  }
0xbf: {  	[dreg:$0x0] =	wrdreg $0xFFFFFFFF;
	(pc) =	sbr.abs _section_cstart, $3  }
0xc0: {  	[dreg:$0x1] =	wrdreg $0xFFFFFFFF  }
0xc1: {  	_ =	task.clear_ibuf [dreg:s6], $0x2FFFF;
	_ =	strace $0x9FFFFFFF  }
0xc2: {  	(tm) =	ssettm $0x7FFFFFFF  }
0xc3: {  	_ =	shalt  }
tec
execute0_lowered:
.L_overlay_start_1:
0x0: {  	(tag) =	ssettag $0x1  }
0x1: {  	s0 =	srdreg.scid  }
0x2: {  	s6 =	rddreg [dreg:$0x0];
	s1 =	stileid.u32  }
0x3: {  	s2 =	rddreg [dreg:$0x1];
	s8 =	smul.u32 $0x14000, s1  }
0x4: {  	s3 =	simm.s32 $0x0;
	s13 =	simm.s32 $0x0;
	s10 =	smul.u32 $0x50000, s1  }
0x5: {  	s7 =	sand.u32 $0x1, s0;
	s0 =	rddreg [dreg:$0x2];
	s11 =	smul.u32 $0x4F0, s1  }
0x6: {  	[smem:$0x7FF] =	sst s3;
	s31 =	sshll.u32 s1, $0x6;
	s4 =	smul.u32 $0x4F00, s7  }
0x7: {  	s5 =	smul.u32 $0x140000, s7;
	_ =	strace $0x80000047;
	s30 =	ssub.s32 $0x2, s7  }
0x8: {  	s7 =	sshrl.u32 s30, $0x1;
	s10 =	sshrl.u32 s10, $0x2;
	s9 =	sadd.s32 s4, s6  }
0x9: {  	s5 =	sadd.s32 s8, s5;
	s4 =	sadd.s32 $0xC600, s6;
	s12 =	ssub.s32 s30, s7  }
0xa: {  	s10 =	sadd.s32 s10, s2;
	s8 =	sshrl.u32 s5, $0x3;
	s5 =	sadd.s32 $0xEE00, s6  }
0xb: {  	s9 =	sadd.s32 s11, s9;
	s10 =	sshrl.u32 s10, $0x3;
	s11 =	simm.s32 $0x1  }
0xc: {  	s8 =	sadd.s32 s8, s6;
	s6 =	sor.u32 $0x1C01, s31;
	s9 =	sadd.s32 $0x2800, s9  }
0xd: {  	s7 =	sadd.s32 $0xF600, s8;
	s8 =	smax.u32 s12, $0x1;
	s12 =	simm.s32 $0x80  }
.LBB2_1:
0xe: {  	[spmem:s10], [sflag:s6] =	dma.local [hbm:s4], $0x2800  }
0xf: {  	_ =	swait.ge [sflag:s11], $0x2800  }
0x10: {  	[sflag:s11] =	ssyncset.done $0x0  }
0x11: {  	[sflag:s11] =	ssyncadd.s32 $0xFFFFD800  }
0x12: {  	[tilespmem:s12], [sflag:$0x1] =	stream.linear.gather [hbm4b:s5+s3], $0x4000, $0x38;
	[tilespmem:$0x18080] =	vst v63  }
0x13: {  	_ =	swait.ge [sflag:s11], $0x4000  }
0x14: {  	[sflag:s11] =	ssyncset.done $0x0  }
0x15: {  	[sflag:s11] =	ssyncadd.s32 $0xFFFFC000  }
0x16: {  	s14 =	sadd.s32 $0x0, s9;
	[bflag:$0x0] =	sbarrier.arrive $0xFFFF  }
0x17: {  	[tilespmem:s3], [sflag:$0x1] =	stream.linear.gather [hbm4b:s14+s3], $0x80, $0x38;
	[tilespmem:$0x18080] =	vst v63  }
0x18: {  	_ =	swait.ge [sflag:s11], $0x80  }
0x19: {  	[sflag:s11] =	ssyncset.done $0x0  }
0x1a: {  	[sflag:s11] =	ssyncadd.s32 $0xFFFFFF80  }
0x1b: {  	[spmem:s2] =	stream.indirect.scatter.add.f32 [tilespmem:s12], [sflag:$0x1], $0x80, s3, s12, $0xb8;
	[tilespmem:$0x18080] =	vst v63  }
0x1c: {  	_ =	swait.ge [sflag:s11], $0x4000  }
0x1d: {  	s15 =	simm.s32 $0x20;
	s14 =	simm.s32 $0x10;
	[sflag:s11] =	ssyncset.done $0x0  }
.LBB2_2:
0x1e: {  	s16 =	sadd.s32 s14, s9  }
0x1f: {  	[sflag:s11] =	ssyncadd.s32 $0xFFFFC000;
	s14 =	smov.u32 s15;
	s17 =	sadd.s32 $0x10, s15  }
0x20: {  	[tilespmem:s3], [sflag:$0x1] =	stream.linear.gather [hbm4b:s16+s3], $0x80, $0x38;
	[tilespmem:$0x18080] =	vst v63  }
0x21: {  	p0 =	sne.s32 s15, $0x4E0;
	_ =	swait.ge [sflag:s11], $0x80  }
.Ltmp0:
0x22: {  	[sflag:s11] =	ssyncset.done $0x0;
	(pc) =	sbr.rel @p0 .LBB2_2-.Ltmp0, $4  }
0x23: {  	[sflag:s11] =	ssyncadd.s32 $0xFFFFFF80  }
0x24: {  	[spmem:s2] =	stream.indirect.scatter.add.f32 [tilespmem:s12], [sflag:$0x1], $0x80, s3, s12, $0xb8;
	[tilespmem:$0x18080] =	vst v63  }
0x25: {  	_ =	swait.ge [sflag:s11], $0x4000  }
0x26: {  	s15 =	smov.u32 s17;
	[sflag:s11] =	ssyncset.done $0x0  }
0x27: {  	s14 =	sadd.s32 s14, s9;
	[sflag:s11] =	ssyncadd.s32 $0xFFFFC000  }
0x28: {  	[tilespmem:s3], [sflag:$0x1] =	stream.linear.gather [hbm4b:s14+s3], $0x80, $0x38;
	[tilespmem:$0x18080] =	vst v63  }
0x29: {  	_ =	swait.ge [sflag:s11], $0x80  }
0x2a: {  	[sflag:s11] =	ssyncset.done $0x0  }
0x2b: {  	[sflag:s11] =	ssyncadd.s32 $0xFFFFFF80  }
0x2c: {  	[spmem:s2] =	stream.indirect.scatter.add.f32 [tilespmem:s12], [sflag:$0x1], $0x80, s3, s12, $0xb8;
	[tilespmem:$0x18080] =	vst v63  }
0x2d: {  	_ =	swait.ge [sflag:s11], $0x4000  }
0x2e: {  	s13 =	sadd.s32 $0x1, s13;
	[sflag:s11] =	ssyncset.done $0x0  }
0x2f: {  	p0 =	sne.s32 s13, s8;
	[sflag:s11] =	ssyncadd.s32 $0xFFFFC000  }
.Ltmp1:
0x30: {  	[bflag:$0x0] =	sbarrier.arrive $0xFFFF;
	(pc) =	sbr.rel @p0 .LBB2_1-.Ltmp1, $4  }
0x31: {  	[hbm:s7], [sflag:s6] =	dma.local [spmem:s10], $0x2800  }
0x32: {  	_ =	swait.ge [sflag:s11], $0x2800  }
0x33: {  	[sflag:s11] =	ssyncset.done $0x0  }
0x34: {  	[sflag:s11] =	ssyncadd.s32 $0xFFFFD800  }
0x35: {  	_ =	sfence.sel $0x180000  }
0x36: {  	[bflag:$0x0] =	sbarrier.arrive $0xFFFF  }
0x37: {  	p0 =	sne.s32 s1, $0x0;
	_ =	strace $0x90000047  }
0x38: {  	s0 =	sadd.s32 @!p0 $0x100000, s0;
	[bflag:$0x2] =	sbarrier.arrive $0xFFFF  }
0x39: {  	[sflag:s0] =	ssyncadd.tile.s32 @!p0 $0x1;
	_ =	shalt  }
.Lfunc_end2:
_tile_overlayer_lowered:
.L_overlay_start_2:
0x3a: {  	(tag) =	ssettag $0x2  }
0x3b: {  	s0 =	rddreg [dreg:$0x0];
	s2 =	stileid.u32  }
0x3c: {  	s1 =	rddreg [dreg:$0x1];
	p0 =	sne.s32 s2, $0x0  }
0x3d: {  	s3 =	rddreg [dreg:$0x2];
	[bflag:$0x3] =	sbarrier.arrive $0xFFFF;
	s2 =	simm.s32 @!p0 $0x1C01  }
0x3e: {  	[timem:s3], [sflag:s2] =	dma.local @!p0 [hbm:s0], s1  }
0x3f: {  	s0 =	simm.s32 @!p0 $0x1  }
0x40: {  	_ =	swait.ge @!p0 [sflag:s0], s1  }
0x41: {  	s1 =	ssub.s32 @!p0 $0x0, s1;
	[sflag:s0] =	ssyncset.done @!p0 $0x0  }
0x42: {  	[sflag:s0] =	ssyncadd.s32 @!p0 s1  }
0x43: {  	[bflag:$0x3] =	sbarrier.arrive $0xFFFF  }
0x44: {  	_ =	shalt  }

</sc_bundles>
